<compile_context>
chip_gen: v7x
topology: tpu7x:2x2x1
jax: 0.10.2.dev20260603
libtpu: 0.0.44.dev20260713+nightly
codegen_flags: <defaults>
</compile_context>

<pallas_src>
import jax
import jax.numpy as jnp
import numpy as np
from jax.experimental import pallas as pl

_NUM_CLASSES = 80
_ANCHORS = np.array(
    [[10, 13], [16, 30], [33, 23], [30, 61], [62, 45], [59, 119],
     [116, 90], [156, 198], [373, 326]], dtype=np.float32)
_MASK = [[0, 1, 2], [3, 4, 5], [6, 7, 8]]
_STRIDES = [8.0, 16.0, 32.0]
_MAX_OUT = 100
_IOU_THR = 0.5
_SCORE_THR = 0.25
_PRESELECT = 400
_PAD = 512

_LEVELS = [(64, 64), (32, 32), (16, 16)]
_N_TOTAL = sum(h * w * 3 for h, w in _LEVELS)


def _build_consts():
    gx, gy, aw, ah, st = [], [], [], [], []
    for i, (H, W) in enumerate(_LEVELS):
        anc = _ANCHORS[_MASK[i]]
        hh, ww, aa = np.meshgrid(np.arange(H), np.arange(W), np.arange(3),
                                 indexing="ij")
        gx.append(ww.reshape(-1).astype(np.float32))
        gy.append(hh.reshape(-1).astype(np.float32))
        aw.append(anc[aa.reshape(-1), 0])
        ah.append(anc[aa.reshape(-1), 1])
        st.append(np.full(H * W * 3, _STRIDES[i], dtype=np.float32))
    rows = [np.concatenate(v) for v in (gx, gy, aw, ah, st)]
    rows += [np.zeros(_N_TOTAL, np.float32)] * 3
    return np.stack(rows, axis=0)


_CONSTS = _build_consts()


_BITS_LO = 0x3E800000
_BITS_HI = 0x3F800000


def _decode_kernel(x_ref, c_ref, b_ref, s_ref, t_ref):
    x = x_ref[0]
    c = c_ref[...]
    xy = jax.nn.sigmoid(x[0:2, :])
    ctr = (xy + c[0:2, :]) * c[4:5, :]
    half = jnp.exp(x[2:4, :]) * c[2:4, :] * 0.5
    b_ref[0, 0:2, :] = ctr - half
    b_ref[0, 2:4, :] = ctr + half
    obj = jax.nn.sigmoid(x[4:5, :])
    sc = obj * jax.nn.sigmoid(x[5:85, :])
    s_ref[0] = sc

    ms = jnp.where(sc > _SCORE_THR, sc, -1.0)
    lo0 = jnp.full((_NUM_CLASSES, 1), _BITS_LO, jnp.int32)
    hi0 = jnp.full((_NUM_CLASSES, 1), _BITS_HI, jnp.int32)

    def bbody(_, lh):
        lo, hi = lh
        mid = (lo + hi) >> 1
        mid_f = jax.lax.bitcast_convert_type(mid, jnp.float32)
        cnt = jnp.sum((ms >= mid_f).astype(jnp.int32), axis=1, keepdims=True)
        ge = cnt >= _PRESELECT
        return jnp.where(ge, mid, lo), jnp.where(ge, hi, mid)

    lo, _ = jax.lax.fori_loop(0, 24, bbody, (lo0, hi0))
    t = jax.lax.bitcast_convert_type(lo, jnp.float32)
    t_ref[0] = jnp.broadcast_to(t, (_NUM_CLASSES, 128))


_ROWS = 8 * _NUM_CLASSES


def _nms_kernel(s_ref, x1_ref, y1_ref, x2_ref, y2_ref,
                os_ref, ox1_ref, oy1_ref, ox2_ref, oy2_ref):
    s = s_ref[...]
    cur0 = jnp.where(s > _SCORE_THR, s, -1.0)
    x1 = x1_ref[...]
    y1 = y1_ref[...]
    x2 = x2_ref[...]
    y2 = y2_ref[...]
    a2 = (x2 - x1) * (y2 - y1)
    iota = jax.lax.broadcasted_iota(jnp.int32, (_ROWS, _PAD), 1)
    io_m = jax.lax.broadcasted_iota(jnp.int32, (_ROWS, 128), 1)
    zm = jnp.zeros((_ROWS, 128), jnp.float32)

    def body(i, carry):
        cur, os_, o1, o2, o3, o4 = carry
        m = jnp.max(cur, axis=1, keepdims=True)
        sel_first = jnp.min(jnp.where(cur == m, iota, _PAD), axis=1,
                            keepdims=True)
        sel = iota == sel_first
        bx1 = jnp.sum(jnp.where(sel, x1, 0.0), axis=1, keepdims=True)
        by1 = jnp.sum(jnp.where(sel, y1, 0.0), axis=1, keepdims=True)
        bx2 = jnp.sum(jnp.where(sel, x2, 0.0), axis=1, keepdims=True)
        by2 = jnp.sum(jnp.where(sel, y2, 0.0), axis=1, keepdims=True)
        ok = m > 0.0
        wr = io_m == i
        os_ = jnp.where(wr, jnp.where(ok, m, 0.0), os_)
        o1 = jnp.where(wr, jnp.where(ok, bx1, 0.0), o1)
        o2 = jnp.where(wr, jnp.where(ok, by1, 0.0), o2)
        o3 = jnp.where(wr, jnp.where(ok, bx2, 0.0), o3)
        o4 = jnp.where(wr, jnp.where(ok, by2, 0.0), o4)
        iw = jnp.maximum(jnp.minimum(bx2, x2) - jnp.maximum(bx1, x1), 0.0)
        ih = jnp.maximum(jnp.minimum(by2, y2) - jnp.maximum(by1, y1), 0.0)
        inter = iw * ih
        a1 = (bx2 - bx1) * (by2 - by1)
        iou = inter / (a1 + a2 - inter + 1e-9)
        cur = jnp.where(iou > _IOU_THR, -1.0, cur)
        cur = jnp.where(sel, -1.0, cur)
        return (cur, os_, o1, o2, o3, o4)

    cur, os_, o1, o2, o3, o4 = jax.lax.fori_loop(
        0, _MAX_OUT, body, (cur0, zm, zm, zm, zm, zm))
    os_ref[...] = os_
    ox1_ref[...] = o1
    oy1_ref[...] = o2
    ox2_ref[...] = o3
    oy2_ref[...] = o4


@jax.jit
def kernel(logits_0, logits_1, logits_2):
    B = logits_0.shape[0]
    N = _N_TOTAL
    parts = []
    for lg, (H, W) in zip((logits_0, logits_1, logits_2), _LEVELS):
        parts.append(lg.reshape(B, H * W * 3, 85))
    X = jnp.concatenate(parts, axis=1).transpose(0, 2, 1)
    consts = jnp.asarray(_CONSTS)

    boxes_t, scores_t, t_out = pl.pallas_call(
        _decode_kernel,
        grid=(B,),
        in_specs=[
            pl.BlockSpec((1, 85, N), lambda b: (b, 0, 0)),
            pl.BlockSpec((8, N), lambda b: (0, 0)),
        ],
        out_specs=[
            pl.BlockSpec((1, 4, N), lambda b: (b, 0, 0)),
            pl.BlockSpec((1, _NUM_CLASSES, N), lambda b: (b, 0, 0)),
            pl.BlockSpec((1, _NUM_CLASSES, 128), lambda b: (b, 0, 0)),
        ],
        out_shape=[
            jax.ShapeDtypeStruct((B, 4, N), jnp.float32),
            jax.ShapeDtypeStruct((B, _NUM_CLASSES, N), jnp.float32),
            jax.ShapeDtypeStruct((B, _NUM_CLASSES, 128), jnp.float32),
        ],
    )(X, consts)

    R = B * _NUM_CLASSES
    NCH = N // 128
    sflat = scores_t.reshape(R, N)
    t = t_out[:, :, 0].reshape(R, 1)
    mask = (sflat > _SCORE_THR) & (sflat >= t)
    mch = mask.reshape(R, NCH, 128).astype(jnp.bfloat16)
    cnt = jnp.sum(mch, axis=-1, dtype=jnp.float32)
    ccum = jnp.cumsum(cnt, axis=1)
    total = ccum[:, -1:]
    kf = jnp.arange(_PRESELECT, dtype=jnp.float32)
    cmp = (ccum[:, :, None] <= kf[None, None, :]).astype(jnp.bfloat16)
    chunk_idx = jnp.sum(cmp, axis=1, dtype=jnp.float32)
    base = jnp.sum(cnt.astype(jnp.bfloat16)[:, :, None] * cmp, axis=1,
                   dtype=jnp.float32)
    ci = jnp.minimum(chunk_idx, float(NCH - 1))
    onehot = (jnp.arange(NCH, dtype=jnp.float32)[None, None, :]
              == ci[:, :, None]).astype(jnp.bfloat16)
    selc = jnp.einsum('rkc,rcl->rkl', onehot, mch,
                      preferred_element_type=jnp.bfloat16)
    lane_cum = jnp.cumsum(selc, axis=2)
    j = (kf[None, :] - base).astype(jnp.bfloat16)
    lane_idx = jnp.sum((lane_cum <= j[:, :, None]).astype(jnp.bfloat16),
                       axis=2, dtype=jnp.float32)
    validk = kf[None, :] < total
    idx_f = ci * 128.0 + jnp.minimum(lane_idx, 127.0)
    top_i = jnp.where(validk, idx_f, 0.0).astype(jnp.int32)
    top_s = jnp.where(validk, jnp.take_along_axis(sflat, top_i, axis=1), 0.0)
    bi = top_i.reshape(B, _NUM_CLASSES, _PRESELECT)
    bb = boxes_t[jnp.arange(B)[:, None, None, None],
                 jnp.arange(4)[None, None, :, None],
                 bi[:, :, None, :]]
    s_pad = jnp.zeros((B, _NUM_CLASSES, _PAD), jnp.float32)
    s_pad = s_pad.at[:, :, :_PRESELECT].set(
        top_s.reshape(B, _NUM_CLASSES, _PRESELECT))
    b_pad = jnp.zeros((B, _NUM_CLASSES, 4, _PAD), jnp.float32)
    b_pad = b_pad.at[:, :, :, :_PRESELECT].set(bb)
    x1p = b_pad[:, :, 0, :]
    y1p = b_pad[:, :, 1, :]
    x2p = b_pad[:, :, 2, :]
    y2p = b_pad[:, :, 3, :]

    spec_in = pl.BlockSpec((_ROWS, _PAD), lambda: (0, 0))
    spec_out = pl.BlockSpec((_ROWS, 128), lambda: (0, 0))
    flat2 = lambda a: a.reshape(_ROWS, -1)
    outs = pl.pallas_call(
        _nms_kernel,
        in_specs=[spec_in] * 5,
        out_specs=[spec_out] * 5,
        out_shape=[jax.ShapeDtypeStruct((_ROWS, 128), jnp.float32)] * 5,
    )(flat2(s_pad), flat2(x1p), flat2(y1p), flat2(x2p), flat2(y2p))
    ss, ox1, oy1, ox2, oy2 = (o.reshape(B, _NUM_CLASSES, 128) for o in outs)

    flat_s = ss[:, :, :_MAX_OUT].reshape(B, _NUM_CLASSES * _MAX_OUT)
    flat_b = jnp.stack([ox1, oy1, ox2, oy2], axis=-1)[:, :, :_MAX_OUT, :]
    flat_b = flat_b.reshape(B, _NUM_CLASSES * _MAX_OUT, 4)
    top_s2, top_i2 = jax.lax.top_k(flat_s, _MAX_OUT)
    top_b = jnp.take_along_axis(flat_b, top_i2[:, :, None], axis=1)
    top_c = (top_i2 // _MAX_OUT).astype(jnp.float32)
    ok = top_s2 > 0.0
    top_b = jnp.where(ok[:, :, None], top_b, 0.0)
    top_c = jnp.where(ok, top_c, 0.0)
    top_s2 = jnp.where(ok, top_s2, 0.0)
    valid = jnp.sum(ok, axis=1).astype(jnp.int32)
    return top_b, top_s2, top_c, valid

# --- scband reference (transcript-rebuilt; emitter-appended) ---
"""Pipeline reference for scband-header-18485539242052 (READ-ONLY COPY).

The authoritative reference and input builder live on the scoring server;
editing this copy changes nothing except your own understanding.
"""

import jax, jax.numpy as jnp
import numpy as np

NUM_CLASSES = 80
ANCHORS = np.array([[10,13],[16,30],[33,23],[30,61],[62,45],[59,119],[116,90],[156,198],[373,326]], dtype=np.float32)
MASK = [[0,1,2],[3,4,5],[6,7,8]]
STRIDES = [8.0, 16.0, 32.0]
MAX_OUTPUTS = 100
IOU_THRESHOLD = 0.5
SCORE_THRESHOLD = 0.25
PRESELECT = 400


def _decode(logits, anchors, stride):
    B, H, W, _ = logits.shape
    A = anchors.shape[0]
    x = logits.reshape(B, H, W, A, NUM_CLASSES + 5)
    box_xy = jax.nn.sigmoid(x[..., 0:2])
    box_wh = x[..., 2:4]
    obj = jax.nn.sigmoid(x[..., 4:5])
    cls = jax.nn.sigmoid(x[..., 5:])
    gx, gy = jnp.meshgrid(jnp.arange(W), jnp.arange(H))
    grid = jnp.stack([gx, gy], axis=-1)[:, :, None, :].astype(logits.dtype)
    box_xy = (box_xy + grid) * stride
    box_wh = jnp.exp(box_wh) * jnp.asarray(anchors, logits.dtype)
    box_x1y1 = box_xy - box_wh / 2.0
    box_x2y2 = box_xy + box_wh / 2.0
    box = jnp.concatenate([box_x1y1, box_x2y2], axis=-1)
    return box.reshape(B, -1, 4), obj.reshape(B, -1), cls.reshape(B, -1, NUM_CLASSES)


def _iou(box, boxes):
    x1 = jnp.maximum(box[0], boxes[:, 0])
    y1 = jnp.maximum(box[1], boxes[:, 1])
    x2 = jnp.minimum(box[2], boxes[:, 2])
    y2 = jnp.minimum(box[3], boxes[:, 3])
    inter = jnp.clip(x2 - x1, 0.0) * jnp.clip(y2 - y1, 0.0)
    a1 = (box[2] - box[0]) * (box[3] - box[1])
    a2 = (boxes[:, 2] - boxes[:, 0]) * (boxes[:, 3] - boxes[:, 1])
    return inter / (a1 + a2 - inter + 1e-9)


def _nms_one_class(boxes, scores):
    s, idx = jax.lax.top_k(scores, PRESELECT)
    b = boxes[idx]
    s = jnp.where(s > SCORE_THRESHOLD, s, -1.0)

    def body(i, state):
        sb, ss, cur = state
        j = jnp.argmax(cur)
        best = cur[j]
        box = b[j]
        ok = best > 0.0
        sb = sb.at[i].set(jnp.where(ok, box, jnp.zeros((4,), b.dtype)))
        ss = ss.at[i].set(jnp.where(ok, best, 0.0))
        ious = _iou(box, b)
        cur = jnp.where(ious > IOU_THRESHOLD, -1.0, cur)
        cur = cur.at[j].set(-1.0)
        return (sb, ss, cur)

    sb0 = jnp.zeros((MAX_OUTPUTS, 4), b.dtype)
    ss0 = jnp.zeros((MAX_OUTPUTS,), b.dtype)
    sb, ss, _ = jax.lax.fori_loop(0, MAX_OUTPUTS, body, (sb0, ss0, s))
    return sb, ss


def _combined_nms(boxes, scores):
    B, N, C = scores.shape

    def per_image(bx, sc):
        return jax.vmap(lambda s: _nms_one_class(bx, s))(sc.T)

    sb, ss = jax.vmap(per_image)(boxes, scores)  # [B,C,M,4], [B,C,M]
    cls_ids = jnp.broadcast_to(jnp.arange(C, dtype=boxes.dtype)[:, None], (C, MAX_OUTPUTS)).reshape(-1)
    flat_s = ss.reshape(B, C * MAX_OUTPUTS)
    flat_b = sb.reshape(B, C * MAX_OUTPUTS, 4)
    top_s, top_i = jax.lax.top_k(flat_s, MAX_OUTPUTS)
    top_b = jnp.take_along_axis(flat_b, top_i[:, :, None], axis=1)
    top_c = cls_ids[top_i]
    ok = top_s > 0.0
    top_b = jnp.where(ok[:, :, None], top_b, 0.0)
    top_c = jnp.where(ok, top_c, 0.0)
    top_s = jnp.where(ok, top_s, 0.0)
    valid = jnp.sum(ok, axis=1).astype(jnp.int32)
    return top_b, top_s, top_c, valid


def _forward(logits_0, logits_1, logits_2):
    all_b, all_o, all_c = [], [], []
    for i, lg in enumerate([logits_0, logits_1, logits_2]):
        anchors = ANCHORS[MASK[i]]
        b, o, c = _decode(lg, anchors, STRIDES[i])
        all_b.append(b)
        all_o.append(o)
        all_c.append(c)
    boxes = jnp.concatenate(all_b, axis=1)
    obj = jnp.concatenate(all_o, axis=1)
    cls = jnp.concatenate(all_c, axis=1)
    scores = obj[:, :, None] * cls
    return _combined_nms(boxes, scores)


def setup_inputs(seed: int = 0):
    key = jax.random.key(seed)
    k0, k1, k2 = jax.random.split(key, 3)
    return {
        "logits_0": jax.random.normal(k0, (8, 64, 64, 255), dtype=jnp.float32),
        "logits_1": jax.random.normal(k1, (8, 32, 32, 255), dtype=jnp.float32),
        "logits_2": jax.random.normal(k2, (8, 16, 16, 255), dtype=jnp.float32),
    }


def reference(logits_0, logits_1, logits_2):
    return _forward(logits_0, logits_1, logits_2)

if __name__ == "__main__":
    import jax
    _d = setup_inputs()
    print(jax.jit(kernel)(*tuple(_d.values())))

</pallas_src>

<mosaic_0001>
module attributes {stable_mosaic.version = 14 : i64} {
  func.func @_decode_kernel(%arg0: i32, %arg1: memref<1x85x16128xf32, #tpu.memory_space<vmem>>, %arg2: memref<8x16128xf32, #tpu.memory_space<vmem>>, %arg3: memref<1x4x16128xf32, #tpu.memory_space<vmem>>, %arg4: memref<1x80x16128xf32, #tpu.memory_space<vmem>>, %arg5: memref<1x80x128xf32, #tpu.memory_space<vmem>>) attributes {dimension_semantics = [#tpu.dimension_semantics<arbitrary>], iteration_bounds = array<i64: 8>, scalar_prefetch = 0 : i64, scratch_operands = 0 : i64, tpu.core_type = #tpu.core_type<tc>, window_params = [{transform_indices = @transform_0, window_bounds = array<i64: 1, 85, 16128>}, {pipeline_mode = #tpu.pipeline_mode<synchronous>, transform_indices = @transform_1, window_bounds = array<i64: 8, 16128>}, {transform_indices = @transform_2, window_bounds = array<i64: 1, 4, 16128>}, {transform_indices = @transform_3, window_bounds = array<i64: 1, 80, 16128>}, {transform_indices = @transform_4, window_bounds = array<i64: 1, 80, 128>}]} {
    %get3A = arith.constant 0 : index
    %get3A_0 = arith.constant 0 : index
    %get3A_1 = arith.constant 0 : index
    %get3A_2 = vector.load %arg1[%get3A, %get3A_0, %get3A_1] : memref<1x85x16128xf32, #tpu.memory_space<vmem>>, vector<1x85x16128xf32>
    %get3A_3 = vector.shape_cast %get3A_2 : vector<1x85x16128xf32> to vector<85x16128xf32>
    %get3A_4 = arith.constant 0 : index
    %get3A_5 = arith.constant 0 : index
    %get3A_6 = vector.load %arg2[%get3A_4, %get3A_5] : memref<8x16128xf32, #tpu.memory_space<vmem>>, vector<8x16128xf32>
    %slice3A = vector.extract_strided_slice %get3A_3 {offsets = [0, 0], sizes = [2, 16128], strides = [1, 1]} : vector<85x16128xf32> to vector<2x16128xf32>
    %logistic3A = arith.negf %slice3A : vector<2x16128xf32>
    %logistic3A_7 = math.exp %logistic3A : vector<2x16128xf32>
    %logistic3A_8 = arith.constant 1.000000e+00 : f32
    %logistic3A_9 = vector.broadcast %logistic3A_8 : f32 to vector<2x16128xf32>
    %logistic3A_10 = arith.addf %logistic3A_9, %logistic3A_7 : vector<2x16128xf32>
    %logistic3A_11 = arith.divf %logistic3A_9, %logistic3A_10 : vector<2x16128xf32>
    %slice3A_12 = vector.extract_strided_slice %get3A_6 {offsets = [0, 0], sizes = [2, 16128], strides = [1, 1]} : vector<8x16128xf32> to vector<2x16128xf32>
    %add3A = arith.addf %logistic3A_11, %slice3A_12 : vector<2x16128xf32>
    %slice3A_13 = vector.extract_strided_slice %get3A_6 {offsets = [4, 0], sizes = [1, 16128], strides = [1, 1]} : vector<8x16128xf32> to vector<1x16128xf32>
    %mul3A = vector.broadcast %slice3A_13 : vector<1x16128xf32> to vector<2x16128xf32>
    %mul3A_14 = arith.mulf %add3A, %mul3A : vector<2x16128xf32>
    %slice3A_15 = vector.extract_strided_slice %get3A_3 {offsets = [2, 0], sizes = [2, 16128], strides = [1, 1]} : vector<85x16128xf32> to vector<2x16128xf32>
    %exp3A = math.exp %slice3A_15 : vector<2x16128xf32>
    %slice3A_16 = vector.extract_strided_slice %get3A_6 {offsets = [2, 0], sizes = [2, 16128], strides = [1, 1]} : vector<8x16128xf32> to vector<2x16128xf32>
    %mul3A_17 = arith.mulf %exp3A, %slice3A_16 : vector<2x16128xf32>
    %mul3A_18 = arith.constant 5.000000e-01 : f32
    %mul3A_19 = vector.broadcast %mul3A_18 : f32 to vector<2x16128xf32>
    %mul3A_20 = arith.mulf %mul3A_17, %mul3A_19 : vector<2x16128xf32>
    %sub3A = arith.subf %mul3A_14, %mul3A_20 : vector<2x16128xf32>
    %swap3A = arith.constant 0 : index
    %swap3A_21 = arith.constant 0 : index
    %swap3A_22 = arith.constant 0 : index
    %swap3A_23 = vector.load %arg3[%swap3A, %swap3A_21, %swap3A_22] : memref<1x4x16128xf32, #tpu.memory_space<vmem>>, vector<1x2x16128xf32>
    %swap3A_24 = vector.shape_cast %swap3A_23 : vector<1x2x16128xf32> to vector<2x16128xf32>
    %swap3A_25 = vector.shape_cast %sub3A : vector<2x16128xf32> to vector<1x2x16128xf32>
    tpu.vector_store %arg3[%swap3A, %swap3A_21, %swap3A_22], %swap3A_25 {strides = array<i32>} : memref<1x4x16128xf32, #tpu.memory_space<vmem>>, vector<1x2x16128xf32>,
    %add3A_26 = arith.addf %mul3A_14, %mul3A_20 : vector<2x16128xf32>
    %swap3A_27 = arith.constant 0 : index
    %swap3A_28 = arith.constant 2 : index
    %swap3A_29 = arith.constant 0 : index
    %swap3A_30 = vector.load %arg3[%swap3A_27, %swap3A_28, %swap3A_29] : memref<1x4x16128xf32, #tpu.memory_space<vmem>>, vector<1x2x16128xf32>
    %swap3A_31 = vector.shape_cast %swap3A_30 : vector<1x2x16128xf32> to vector<2x16128xf32>
    %swap3A_32 = vector.shape_cast %add3A_26 : vector<2x16128xf32> to vector<1x2x16128xf32>
    tpu.vector_store %arg3[%swap3A_27, %swap3A_28, %swap3A_29], %swap3A_32 {strides = array<i32>} : memref<1x4x16128xf32, #tpu.memory_space<vmem>>, vector<1x2x16128xf32>,
    %slice3A_33 = vector.extract_strided_slice %get3A_3 {offsets = [4, 0], sizes = [1, 16128], strides = [1, 1]} : vector<85x16128xf32> to vector<1x16128xf32>
    %logistic3A_34 = arith.negf %slice3A_33 : vector<1x16128xf32>
    %logistic3A_35 = math.exp %logistic3A_34 : vector<1x16128xf32>
    %logistic3A_36 = arith.constant 1.000000e+00 : f32
    %logistic3A_37 = vector.broadcast %logistic3A_36 : f32 to vector<1x16128xf32>
    %logistic3A_38 = arith.addf %logistic3A_37, %logistic3A_35 : vector<1x16128xf32>
    %logistic3A_39 = arith.divf %logistic3A_37, %logistic3A_38 : vector<1x16128xf32>
    %slice3A_40 = vector.extract_strided_slice %get3A_3 {offsets = [5, 0], sizes = [80, 16128], strides = [1, 1]} : vector<85x16128xf32> to vector<80x16128xf32>
    %logistic3A_41 = arith.negf %slice3A_40 : vector<80x16128xf32>
    %logistic3A_42 = math.exp %logistic3A_41 : vector<80x16128xf32>
    %logistic3A_43 = arith.constant 1.000000e+00 : f32
    %logistic3A_44 = vector.broadcast %logistic3A_43 : f32 to vector<80x16128xf32>
    %logistic3A_45 = arith.addf %logistic3A_44, %logistic3A_42 : vector<80x16128xf32>
    %logistic3A_46 = arith.divf %logistic3A_44, %logistic3A_45 : vector<80x16128xf32>
    %mul3A_47 = vector.broadcast %logistic3A_39 : vector<1x16128xf32> to vector<80x16128xf32>
    %mul3A_48 = arith.mulf %mul3A_47, %logistic3A_46 : vector<80x16128xf32>
    %swap3A_49 = arith.constant 0 : index
    %swap3A_50 = arith.constant 0 : index
    %swap3A_51 = arith.constant 0 : index
    %swap3A_52 = vector.load %arg4[%swap3A_49, %swap3A_50, %swap3A_51] : memref<1x80x16128xf32, #tpu.memory_space<vmem>>, vector<1x80x16128xf32>
    %swap3A_53 = vector.shape_cast %swap3A_52 : vector<1x80x16128xf32> to vector<80x16128xf32>
    %swap3A_54 = vector.shape_cast %mul3A_48 : vector<80x16128xf32> to vector<1x80x16128xf32>
    tpu.vector_store %arg4[%swap3A_49, %swap3A_50, %swap3A_51], %swap3A_54 {strides = array<i32>} : memref<1x80x16128xf32, #tpu.memory_space<vmem>>, vector<1x80x16128xf32>,
    %gt3A = arith.constant 2.500000e-01 : f32
    %gt3A_55 = vector.broadcast %gt3A : f32 to vector<80x16128xf32>
    %gt3A_56 = arith.cmpf ogt, %mul3A_48, %gt3A_55 : vector<80x16128xf32>
    %jit3A = arith.constant -1.000000e+00 : f32
    %broadcast_in_dim3A = vector.broadcast %jit3A : f32 to vector<80x16128xf32>
    %select_n3A = arith.select %gt3A_56, %mul3A_48, %broadcast_in_dim3A : vector<80x16128xi1>, vector<80x16128xf32>
    %broadcast_in_dim3A_57 = arith.constant 1048576000 : i32
    %broadcast_in_dim3A_58 = vector.broadcast %broadcast_in_dim3A_57 : i32 to vector<80x1xi32>
    %broadcast_in_dim3A_59 = arith.constant 1065353216 : i32
    %broadcast_in_dim3A_60 = vector.broadcast %broadcast_in_dim3A_59 : i32 to vector<80x1xi32>
    %scan3A = arith.constant 0 : i32
    %scan3A_61 = arith.constant 24 : i32
    %scan3A_62 = arith.addi %scan3A, %scan3A_61 : i32
    %scan3A_63 = arith.constant 1 : i32
    %scan3A_64:2 = scf.for %scan3A_73 = %scan3A to %scan3A_62 step %scan3A_63 iter_args(%scan3A_74 = %broadcast_in_dim3A_58, %scan3A_75 = %broadcast_in_dim3A_60) -> (vector<80x1xi32>, vector<80x1xi32>)  : i32 {
      %add3A_76 = arith.addi %scan3A_74, %scan3A_75 : vector<80x1xi32>
      %shift_right_arithmetic3A = arith.constant 1 : i32
      %shift_right_arithmetic3A_77 = vector.broadcast %shift_right_arithmetic3A : i32 to vector<80x1xi32>
      %shift_right_arithmetic3A_78 = arith.shrsi %add3A_76, %shift_right_arithmetic3A_77 : vector<80x1xi32>
      %bitcast_convert_type3A_79 = tpu.bitcast %shift_right_arithmetic3A_78 : vector<80x1xi32> -> vector<80x1xf32>
      %ge3A = vector.broadcast %bitcast_convert_type3A_79 : vector<80x1xf32> to vector<80x16128xf32>
      %ge3A_80 = arith.cmpf oge, %select_n3A, %ge3A : vector<80x16128xf32>
      %convert_element_type3A = arith.extui %ge3A_80 : vector<80x16128xi1> to vector<80x16128xi32>
      %reduce_sum3A = arith.constant dense<0> : vector<80xi32>
      %reduce_sum3A_81 = vector.multi_reduction <add>, %convert_element_type3A, %reduce_sum3A [1] : vector<80x16128xi32> to vector<80xi32>
      %broadcast_in_dim3A_82 = vector.shape_cast %reduce_sum3A_81 : vector<80xi32> to vector<80x1xi32>
      %ge3A_83 = arith.constant 400 : i32
      %ge3A_84 = vector.broadcast %ge3A_83 : i32 to vector<80x1xi32>
      %ge3A_85 = arith.cmpi sge, %broadcast_in_dim3A_82, %ge3A_84 : vector<80x1xi32>
      %select_n3A_86 = arith.select %ge3A_85, %shift_right_arithmetic3A_78, %scan3A_74 : vector<80x1xi1>, vector<80x1xi32>
      %select_n3A_87 = arith.select %ge3A_85, %scan3A_75, %shift_right_arithmetic3A_78 : vector<80x1xi1>, vector<80x1xi32>
      scf.yield %select_n3A_86, %select_n3A_87 : vector<80x1xi32>, vector<80x1xi32>
    }
    %bitcast_convert_type3A = tpu.bitcast %scan3A_64#0 : vector<80x1xi32> -> vector<80x1xf32>
    %broadcast_in_dim3A_65 = vector.shape_cast %bitcast_convert_type3A : vector<80x1xf32> to vector<80x1xf32>
    %broadcast_in_dim3A_66 = vector.broadcast %broadcast_in_dim3A_65 : vector<80x1xf32> to vector<80x128xf32>
    %swap3A_67 = arith.constant 0 : index
    %swap3A_68 = arith.constant 0 : index
    %swap3A_69 = arith.constant 0 : index
    %swap3A_70 = vector.load %arg5[%swap3A_67, %swap3A_68, %swap3A_69] : memref<1x80x128xf32, #tpu.memory_space<vmem>>, vector<1x80x128xf32>
    %swap3A_71 = vector.shape_cast %swap3A_70 : vector<1x80x128xf32> to vector<80x128xf32>
    %swap3A_72 = vector.shape_cast %broadcast_in_dim3A_66 : vector<80x128xf32> to vector<1x80x128xf32>
    tpu.vector_store %arg5[%swap3A_67, %swap3A_68, %swap3A_69], %swap3A_72 {strides = array<i32>} : memref<1x80x128xf32, #tpu.memory_space<vmem>>, vector<1x80x128xf32>,
    return
  }
  func.func @transform_0(%arg0: i32) -> (i32, i32, i32) {
    %c0_i32 = arith.constant 0 : i32
    %c0_i32_0 = arith.constant 0 : i32
    %c0_i32_1 = arith.constant 0 : i32
    return %arg0, %c0_i32, %c0_i32_0 : i32, i32, i32
  }
  func.func @transform_1(%arg0: i32) -> (i32, i32) {
    %c0_i32 = arith.constant 0 : i32
    %c0_i32_0 = arith.constant 0 : i32
    %c0_i32_1 = arith.constant 0 : i32
    return %c0_i32, %c0_i32_0 : i32, i32
  }
  func.func @transform_2(%arg0: i32) -> (i32, i32, i32) {
    %c0_i32 = arith.constant 0 : i32
    %c0_i32_0 = arith.constant 0 : i32
    %c0_i32_1 = arith.constant 0 : i32
    return %arg0, %c0_i32, %c0_i32_0 : i32, i32, i32
  }
  func.func @transform_3(%arg0: i32) -> (i32, i32, i32) {
    %c0_i32 = arith.constant 0 : i32
    %c0_i32_0 = arith.constant 0 : i32
    %c0_i32_1 = arith.constant 0 : i32
    return %arg0, %c0_i32, %c0_i32_0 : i32, i32, i32
  }
  func.func @transform_4(%arg0: i32) -> (i32, i32, i32) {
    %c0_i32 = arith.constant 0 : i32
    %c0_i32_0 = arith.constant 0 : i32
    %c0_i32_1 = arith.constant 0 : i32
    return %arg0, %c0_i32, %c0_i32_0 : i32, i32, i32
  }
}

module attributes {stable_mosaic.version = 14 : i64} {
  func.func @_nms_kernel(%arg0: memref<640x512xf32, #tpu.memory_space<vmem>>, %arg1: memref<640x512xf32, #tpu.memory_space<vmem>>, %arg2: memref<640x512xf32, #tpu.memory_space<vmem>>, %arg3: memref<640x512xf32, #tpu.memory_space<vmem>>, %arg4: memref<640x512xf32, #tpu.memory_space<vmem>>, %arg5: memref<640x128xf32, #tpu.memory_space<vmem>>, %arg6: memref<640x128xf32, #tpu.memory_space<vmem>>, %arg7: memref<640x128xf32, #tpu.memory_space<vmem>>, %arg8: memref<640x128xf32, #tpu.memory_space<vmem>>, %arg9: memref<640x128xf32, #tpu.memory_space<vmem>>) attributes {dimension_semantics = [], scalar_prefetch = 0 : i64, scratch_operands = 0 : i64, tpu.core_type = #tpu.core_type<tc>} {
    %get3A = arith.constant 0 : index
    %get3A_0 = arith.constant 0 : index
    %get3A_1 = vector.load %arg0[%get3A, %get3A_0] : memref<640x512xf32, #tpu.memory_space<vmem>>, vector<640x512xf32>
    %gt3A = arith.constant 2.500000e-01 : f32
    %gt3A_2 = vector.broadcast %gt3A : f32 to vector<640x512xf32>
    %gt3A_3 = arith.cmpf ogt, %get3A_1, %gt3A_2 : vector<640x512xf32>
    %jit3A = arith.constant -1.000000e+00 : f32
    %broadcast_in_dim3A = vector.broadcast %jit3A : f32 to vector<640x512xf32>
    %select_n3A = arith.select %gt3A_3, %get3A_1, %broadcast_in_dim3A : vector<640x512xi1>, vector<640x512xf32>
    %get3A_4 = arith.constant 0 : index
    %get3A_5 = arith.constant 0 : index
    %get3A_6 = vector.load %arg1[%get3A_4, %get3A_5] : memref<640x512xf32, #tpu.memory_space<vmem>>, vector<640x512xf32>
    %get3A_7 = arith.constant 0 : index
    %get3A_8 = arith.constant 0 : index
    %get3A_9 = vector.load %arg2[%get3A_7, %get3A_8] : memref<640x512xf32, #tpu.memory_space<vmem>>, vector<640x512xf32>
    %get3A_10 = arith.constant 0 : index
    %get3A_11 = arith.constant 0 : index
    %get3A_12 = vector.load %arg3[%get3A_10, %get3A_11] : memref<640x512xf32, #tpu.memory_space<vmem>>, vector<640x512xf32>
    %get3A_13 = arith.constant 0 : index
    %get3A_14 = arith.constant 0 : index
    %get3A_15 = vector.load %arg4[%get3A_13, %get3A_14] : memref<640x512xf32, #tpu.memory_space<vmem>>, vector<640x512xf32>
    %sub3A = arith.subf %get3A_12, %get3A_6 : vector<640x512xf32>
    %sub3A_16 = arith.subf %get3A_15, %get3A_9 : vector<640x512xf32>
    %mul3A = arith.mulf %sub3A, %sub3A_16 : vector<640x512xf32>
    %iota3A = tpu.iota {dimensions = array<i32: 1>} : vector<640x512xi32>
    %iota3A_17 = tpu.iota {dimensions = array<i32: 1>} : vector<640x128xi32>
    %broadcast_in_dim3A_18 = arith.constant 0.000000e+00 : f32
    %broadcast_in_dim3A_19 = vector.broadcast %broadcast_in_dim3A_18 : f32 to vector<640x128xf32>
    %scan3A = arith.constant 0 : i32
    %scan3A_20 = arith.constant 100 : i32
    %scan3A_21 = arith.addi %scan3A, %scan3A_20 : i32
    %scan3A_22 = arith.constant 1 : i32
    %scan3A_23:6 = scf.for %scan3A_39 = %scan3A to %scan3A_21 step %scan3A_22 iter_args(%scan3A_40 = %select_n3A, %scan3A_41 = %broadcast_in_dim3A_19, %scan3A_42 = %broadcast_in_dim3A_19, %scan3A_43 = %broadcast_in_dim3A_19, %scan3A_44 = %broadcast_in_dim3A_19, %scan3A_45 = %broadcast_in_dim3A_19) -> (vector<640x512xf32>, vector<640x128xf32>, vector<640x128xf32>, vector<640x128xf32>, vector<640x128xf32>, vector<640x128xf32>)  : i32 {
      %reduce_max3A = arith.constant dense<0xFF800000> : vector<640xf32>
      %reduce_max3A_46 = vector.multi_reduction <maximumf>, %scan3A_40, %reduce_max3A [1] : vector<640x512xf32> to vector<640xf32>
      %broadcast_in_dim3A_47 = vector.shape_cast %reduce_max3A_46 : vector<640xf32> to vector<640x1xf32>
      %eq3A = vector.broadcast %broadcast_in_dim3A_47 : vector<640x1xf32> to vector<640x512xf32>
      %eq3A_48 = arith.cmpf oeq, %scan3A_40, %eq3A : vector<640x512xf32>
      %jit3A_49 = arith.constant 512 : i32
      %broadcast_in_dim3A_50 = vector.broadcast %jit3A_49 : i32 to vector<640x512xi32>
      %select_n3A_51 = arith.select %eq3A_48, %iota3A, %broadcast_in_dim3A_50 : vector<640x512xi1>, vector<640x512xi32>
      %reduce_min3A = arith.constant dense<2147483647> : vector<640xi32>
      %reduce_min3A_52 = vector.multi_reduction <minsi>, %select_n3A_51, %reduce_min3A [1] : vector<640x512xi32> to vector<640xi32>
      %broadcast_in_dim3A_53 = vector.shape_cast %reduce_min3A_52 : vector<640xi32> to vector<640x1xi32>
      %eq3A_54 = vector.broadcast %broadcast_in_dim3A_53 : vector<640x1xi32> to vector<640x512xi32>
      %eq3A_55 = arith.cmpi eq, %iota3A, %eq3A_54 : vector<640x512xi32>
      %jit3A_56 = arith.constant 0.000000e+00 : f32
      %broadcast_in_dim3A_57 = vector.broadcast %jit3A_56 : f32 to vector<640x512xf32>
      %select_n3A_58 = arith.select %eq3A_55, %get3A_6, %broadcast_in_dim3A_57 : vector<640x512xi1>, vector<640x512xf32>
      %reduce_sum3A = arith.constant dense<0.000000e+00> : vector<640xf32>
      %reduce_sum3A_59 = vector.multi_reduction <add>, %select_n3A_58, %reduce_sum3A [1] : vector<640x512xf32> to vector<640xf32>
      %broadcast_in_dim3A_60 = vector.shape_cast %reduce_sum3A_59 : vector<640xf32> to vector<640x1xf32>
      %jit3A_61 = arith.constant 0.000000e+00 : f32
      %broadcast_in_dim3A_62 = vector.broadcast %jit3A_61 : f32 to vector<640x512xf32>
      %select_n3A_63 = arith.select %eq3A_55, %get3A_9, %broadcast_in_dim3A_62 : vector<640x512xi1>, vector<640x512xf32>
      %reduce_sum3A_64 = arith.constant dense<0.000000e+00> : vector<640xf32>
      %reduce_sum3A_65 = vector.multi_reduction <add>, %select_n3A_63, %reduce_sum3A_64 [1] : vector<640x512xf32> to vector<640xf32>
      %broadcast_in_dim3A_66 = vector.shape_cast %reduce_sum3A_65 : vector<640xf32> to vector<640x1xf32>
      %jit3A_67 = arith.constant 0.000000e+00 : f32
      %broadcast_in_dim3A_68 = vector.broadcast %jit3A_67 : f32 to vector<640x512xf32>
      %select_n3A_69 = arith.select %eq3A_55, %get3A_12, %broadcast_in_dim3A_68 : vector<640x512xi1>, vector<640x512xf32>
      %reduce_sum3A_70 = arith.constant dense<0.000000e+00> : vector<640xf32>
      %reduce_sum3A_71 = vector.multi_reduction <add>, %select_n3A_69, %reduce_sum3A_70 [1] : vector<640x512xf32> to vector<640xf32>
      %broadcast_in_dim3A_72 = vector.shape_cast %reduce_sum3A_71 : vector<640xf32> to vector<640x1xf32>
      %jit3A_73 = arith.constant 0.000000e+00 : f32
      %broadcast_in_dim3A_74 = vector.broadcast %jit3A_73 : f32 to vector<640x512xf32>
      %select_n3A_75 = arith.select %eq3A_55, %get3A_15, %broadcast_in_dim3A_74 : vector<640x512xi1>, vector<640x512xf32>
      %reduce_sum3A_76 = arith.constant dense<0.000000e+00> : vector<640xf32>
      %reduce_sum3A_77 = vector.multi_reduction <add>, %select_n3A_75, %reduce_sum3A_76 [1] : vector<640x512xf32> to vector<640xf32>
      %broadcast_in_dim3A_78 = vector.shape_cast %reduce_sum3A_77 : vector<640xf32> to vector<640x1xf32>
      %gt3A_79 = arith.constant 0.000000e+00 : f32
      %gt3A_80 = vector.broadcast %gt3A_79 : f32 to vector<640x1xf32>
      %gt3A_81 = arith.cmpf ogt, %broadcast_in_dim3A_47, %gt3A_80 : vector<640x1xf32>
      %eq3A_82 = vector.broadcast %scan3A_39 : i32 to vector<640x128xi32>
      %eq3A_83 = arith.cmpi eq, %iota3A_17, %eq3A_82 : vector<640x128xi32>
      %jit3A_84 = arith.constant 0.000000e+00 : f32
      %broadcast_in_dim3A_85 = vector.broadcast %jit3A_84 : f32 to vector<640x1xf32>
      %select_n3A_86 = arith.select %gt3A_81, %broadcast_in_dim3A_47, %broadcast_in_dim3A_85 : vector<640x1xi1>, vector<640x1xf32>
      %broadcast_in_dim3A_87 = vector.shape_cast %select_n3A_86 : vector<640x1xf32> to vector<640x1xf32>
      %broadcast_in_dim3A_88 = vector.broadcast %broadcast_in_dim3A_87 : vector<640x1xf32> to vector<640x128xf32>
      %select_n3A_89 = arith.select %eq3A_83, %broadcast_in_dim3A_88, %scan3A_41 : vector<640x128xi1>, vector<640x128xf32>
      %jit3A_90 = arith.constant 0.000000e+00 : f32
      %broadcast_in_dim3A_91 = vector.broadcast %jit3A_90 : f32 to vector<640x1xf32>
      %select_n3A_92 = arith.select %gt3A_81, %broadcast_in_dim3A_60, %broadcast_in_dim3A_91 : vector<640x1xi1>, vector<640x1xf32>
      %broadcast_in_dim3A_93 = vector.shape_cast %select_n3A_92 : vector<640x1xf32> to vector<640x1xf32>
      %broadcast_in_dim3A_94 = vector.broadcast %broadcast_in_dim3A_93 : vector<640x1xf32> to vector<640x128xf32>
      %select_n3A_95 = arith.select %eq3A_83, %broadcast_in_dim3A_94, %scan3A_42 : vector<640x128xi1>, vector<640x128xf32>
      %jit3A_96 = arith.constant 0.000000e+00 : f32
      %broadcast_in_dim3A_97 = vector.broadcast %jit3A_96 : f32 to vector<640x1xf32>
      %select_n3A_98 = arith.select %gt3A_81, %broadcast_in_dim3A_66, %broadcast_in_dim3A_97 : vector<640x1xi1>, vector<640x1xf32>
      %broadcast_in_dim3A_99 = vector.shape_cast %select_n3A_98 : vector<640x1xf32> to vector<640x1xf32>
      %broadcast_in_dim3A_100 = vector.broadcast %broadcast_in_dim3A_99 : vector<640x1xf32> to vector<640x128xf32>
      %select_n3A_101 = arith.select %eq3A_83, %broadcast_in_dim3A_100, %scan3A_43 : vector<640x128xi1>, vector<640x128xf32>
      %jit3A_102 = arith.constant 0.000000e+00 : f32
      %broadcast_in_dim3A_103 = vector.broadcast %jit3A_102 : f32 to vector<640x1xf32>
      %select_n3A_104 = arith.select %gt3A_81, %broadcast_in_dim3A_72, %broadcast_in_dim3A_103 : vector<640x1xi1>, vector<640x1xf32>
      %broadcast_in_dim3A_105 = vector.shape_cast %select_n3A_104 : vector<640x1xf32> to vector<640x1xf32>
      %broadcast_in_dim3A_106 = vector.broadcast %broadcast_in_dim3A_105 : vector<640x1xf32> to vector<640x128xf32>
      %select_n3A_107 = arith.select %eq3A_83, %broadcast_in_dim3A_106, %scan3A_44 : vector<640x128xi1>, vector<640x128xf32>
      %jit3A_108 = arith.constant 0.000000e+00 : f32
      %broadcast_in_dim3A_109 = vector.broadcast %jit3A_108 : f32 to vector<640x1xf32>
      %select_n3A_110 = arith.select %gt3A_81, %broadcast_in_dim3A_78, %broadcast_in_dim3A_109 : vector<640x1xi1>, vector<640x1xf32>
      %broadcast_in_dim3A_111 = vector.shape_cast %select_n3A_110 : vector<640x1xf32> to vector<640x1xf32>
      %broadcast_in_dim3A_112 = vector.broadcast %broadcast_in_dim3A_111 : vector<640x1xf32> to vector<640x128xf32>
      %select_n3A_113 = arith.select %eq3A_83, %broadcast_in_dim3A_112, %scan3A_45 : vector<640x128xi1>, vector<640x128xf32>
      %min3A = vector.broadcast %broadcast_in_dim3A_72 : vector<640x1xf32> to vector<640x512xf32>
      %min3A_114 = arith.minimumf %min3A, %get3A_12 : vector<640x512xf32>
      %max3A = vector.broadcast %broadcast_in_dim3A_60 : vector<640x1xf32> to vector<640x512xf32>
      %max3A_115 = arith.maximumf %max3A, %get3A_6 : vector<640x512xf32>
      %sub3A_116 = arith.subf %min3A_114, %max3A_115 : vector<640x512xf32>
      %max3A_117 = arith.constant 0.000000e+00 : f32
      %max3A_118 = vector.broadcast %max3A_117 : f32 to vector<640x512xf32>
      %max3A_119 = arith.maximumf %sub3A_116, %max3A_118 : vector<640x512xf32>
      %min3A_120 = vector.broadcast %broadcast_in_dim3A_78 : vector<640x1xf32> to vector<640x512xf32>
      %min3A_121 = arith.minimumf %min3A_120, %get3A_15 : vector<640x512xf32>
      %max3A_122 = vector.broadcast %broadcast_in_dim3A_66 : vector<640x1xf32> to vector<640x512xf32>
      %max3A_123 = arith.maximumf %max3A_122, %get3A_9 : vector<640x512xf32>
      %sub3A_124 = arith.subf %min3A_121, %max3A_123 : vector<640x512xf32>
      %max3A_125 = arith.constant 0.000000e+00 : f32
      %max3A_126 = vector.broadcast %max3A_125 : f32 to vector<640x512xf32>
      %max3A_127 = arith.maximumf %sub3A_124, %max3A_126 : vector<640x512xf32>
      %mul3A_128 = arith.mulf %max3A_119, %max3A_127 : vector<640x512xf32>
      %sub3A_129 = arith.subf %broadcast_in_dim3A_72, %broadcast_in_dim3A_60 : vector<640x1xf32>
      %sub3A_130 = arith.subf %broadcast_in_dim3A_78, %broadcast_in_dim3A_66 : vector<640x1xf32>
      %mul3A_131 = arith.mulf %sub3A_129, %sub3A_130 : vector<640x1xf32>
      %add3A = vector.broadcast %mul3A_131 : vector<640x1xf32> to vector<640x512xf32>
      %add3A_132 = arith.addf %add3A, %mul3A : vector<640x512xf32>
      %sub3A_133 = arith.subf %add3A_132, %mul3A_128 : vector<640x512xf32>
      %add3A_134 = arith.constant 9.99999971E-10 : f32
      %add3A_135 = vector.broadcast %add3A_134 : f32 to vector<640x512xf32>
      %add3A_136 = arith.addf %sub3A_133, %add3A_135 : vector<640x512xf32>
      %div3A = arith.divf %mul3A_128, %add3A_136 : vector<640x512xf32>
      %gt3A_137 = arith.constant 5.000000e-01 : f32
      %gt3A_138 = vector.broadcast %gt3A_137 : f32 to vector<640x512xf32>
      %gt3A_139 = arith.cmpf ogt, %div3A, %gt3A_138 : vector<640x512xf32>
      %jit3A_140 = arith.constant -1.000000e+00 : f32
      %broadcast_in_dim3A_141 = vector.broadcast %jit3A_140 : f32 to vector<640x512xf32>
      %select_n3A_142 = arith.select %gt3A_139, %broadcast_in_dim3A_141, %scan3A_40 : vector<640x512xi1>, vector<640x512xf32>
      %jit3A_143 = arith.constant -1.000000e+00 : f32
      %broadcast_in_dim3A_144 = vector.broadcast %jit3A_143 : f32 to vector<640x512xf32>
      %select_n3A_145 = arith.select %eq3A_55, %broadcast_in_dim3A_144, %select_n3A_142 : vector<640x512xi1>, vector<640x512xf32>
      scf.yield %select_n3A_145, %select_n3A_89, %select_n3A_95, %select_n3A_101, %select_n3A_107, %select_n3A_113 : vector<640x512xf32>, vector<640x128xf32>, vector<640x128xf32>, vector<640x128xf32>, vector<640x128xf32>, vector<640x128xf32>
    }
    %scan3A_24 = arith.constant 100 : i32
    %swap3A = arith.constant 0 : index
    %swap3A_25 = arith.constant 0 : index
    %swap3A_26 = vector.load %arg5[%swap3A, %swap3A_25] : memref<640x128xf32, #tpu.memory_space<vmem>>, vector<640x128xf32>
    tpu.vector_store %arg5[%swap3A, %swap3A_25], %scan3A_23#1 {strides = array<i32>} : memref<640x128xf32, #tpu.memory_space<vmem>>, vector<640x128xf32>,
    %swap3A_27 = arith.constant 0 : index
    %swap3A_28 = arith.constant 0 : index
    %swap3A_29 = vector.load %arg6[%swap3A_27, %swap3A_28] : memref<640x128xf32, #tpu.memory_space<vmem>>, vector<640x128xf32>
    tpu.vector_store %arg6[%swap3A_27, %swap3A_28], %scan3A_23#2 {strides = array<i32>} : memref<640x128xf32, #tpu.memory_space<vmem>>, vector<640x128xf32>,
    %swap3A_30 = arith.constant 0 : index
    %swap3A_31 = arith.constant 0 : index
    %swap3A_32 = vector.load %arg7[%swap3A_30, %swap3A_31] : memref<640x128xf32, #tpu.memory_space<vmem>>, vector<640x128xf32>
    tpu.vector_store %arg7[%swap3A_30, %swap3A_31], %scan3A_23#3 {strides = array<i32>} : memref<640x128xf32, #tpu.memory_space<vmem>>, vector<640x128xf32>,
    %swap3A_33 = arith.constant 0 : index
    %swap3A_34 = arith.constant 0 : index
    %swap3A_35 = vector.load %arg8[%swap3A_33, %swap3A_34] : memref<640x128xf32, #tpu.memory_space<vmem>>, vector<640x128xf32>
    tpu.vector_store %arg8[%swap3A_33, %swap3A_34], %scan3A_23#4 {strides = array<i32>} : memref<640x128xf32, #tpu.memory_space<vmem>>, vector<640x128xf32>,
    %swap3A_36 = arith.constant 0 : index
    %swap3A_37 = arith.constant 0 : index
    %swap3A_38 = vector.load %arg9[%swap3A_36, %swap3A_37] : memref<640x128xf32, #tpu.memory_space<vmem>>, vector<640x128xf32>
    tpu.vector_store %arg9[%swap3A_36, %swap3A_37], %scan3A_23#5 {strides = array<i32>} : memref<640x128xf32, #tpu.memory_space<vmem>>, vector<640x128xf32>,
    return
  }
}

</mosaic_0001>

<sc_bundles>
// kernel: gather_offload_async_start.1
scs
__scs_entry_jumppad:
0x0: {  	(pc) =	sbr.rel $0x88, $3  }
0x1: {  	(tag) =	ssettag $0x0;
	lr =	simm.s32 $0x1  }
0x2: {  	[smem:$0x3F9E] =	sst lr;
	_ =	strace $0xD0000000  }
0x3: {  	_ = 	snop  }
0x4: {  	_ = 	snop  }
0x5: {  	_ = 	snop  }
0x6: {  	_ = 	snop  }
0x7: {  	_ = 	snop  }
__scs_overlays_trampoline_lowered:
0x8: {  	[smem:$0x3FAD] =	sst s0  }
0x9: {  	[smem:$0x3FAE] =	sst s1  }
0xa: {  	[smem:$0x3FAF] =	sst s2  }
0xb: {  	[smem:$0x3FB0] =	sst s3  }
0xc: {  	[smem:$0x3FB1] =	sst s4  }
0xd: {  	[smem:$0x3FB2] =	sst s5  }
0xe: {  	[smem:$0x3FB3] =	sst s6  }
0xf: {  	[smem:$0x3FB4] =	sst s7  }
0x10: {  	[smem:$0x3FB5] =	sst s8  }
0x11: {  	[smem:$0x3FB6] =	sst s9;
	s0 =	simm.s32 @!p0 $0x0  }
0x12: {  	s1 =	sld [smem:$0x3F9C];
	s0 =	simm.s32 @p0 $0x1  }
0x13: {  	[smem:$0x3FB7] =	sst s0;
	s0 =	simm.s32 @!p1 $0x0  }
0x14: {  	s2 =	sld [smem:$0x3F9B];
	s0 =	simm.s32 @p1 $0x1  }
0x15: {  	[smem:$0x3FB8] =	sst s0;
	s0 =	simm.s32 @!p2 $0x0  }
0x16: {  	s3 =	sld [smem:$0x3FDB];
	s0 =	simm.s32 @p2 $0x1  }
0x17: {  	s4 =	simm.s32 $0x1BF5;
	[smem:$0x3FBA] =	sst s0  }
0x18: {  	s0 =	sld [smem:$0x3F9D];
	_ =	swait.ge [sflag:s4], $0x0  }
0x19: {  	s7 =	sld [smem:$0x3F9E]  }
0x1a: {  	s8 =	sadd.s32 $0xFFFFE003, lr  }
0x1b: {  	s9 =	sadd.s32 $0xFFFFFEF7, lr;
	s5 =	simm.s32 $0xFFFFFFFF;
	p2 =	slt.u32 s8, $0xFFFFF086  }
0x1c: {  	p1 =	slt.u32 s9, $0xF7A;
	s5 =	simm.s32 @!p2 $0x0  }
0x1d: {  	s5 =	simm.s32 @p1 $0x1;
	p0 =	seq.s32 s7, s2  }
0x1e: {  	s7 =	smul.u32 @!p0 $0xF7A, s2;
	p2 =	seq.s32 @!p0 s5, $0x0  }
0x1f: {  	s9 =	smul.u32 $0xF7A, s1;
	s8 =	simm.s32 @!p0 $0x1BF5;
	p2 =	por !p2, p0  }
0x20: {  	[sflag:s8] =	ssyncset.s32 @!p0 $0xFFFFF086;
	s6 =	sadd.s32 @!p0 s3, s7;
	s7 =	simm.s32 @!p0 $0x108  }
0x21: {  	s3 =	sadd.s32 s3, s9;
	s6 =	sadd.s32 @!p0 $0x88, s6;
	s7 =	simm.s32 @p2 $0x1082  }
0x22: {  	[simem:s7], [sflag:s8] =	dma.local @!p0 [hbm:s6], $0xF7A  }
0x23: {  	s9 =	sor.u32 $0xD0000000, s2;
	s6 =	simm.s32 $0x108;
	_ =	swait.ge @!p0 [sflag:s8], $0x0  }
0x24: {  	s3 =	sadd.s32 $0x88, s3;
	s6 =	simm.s32 @!p1 $0x1082;
	[sflag:s4] =	ssyncset.s32 $0xFFFFF086  }
0x25: {  	[simem:s6], [sflag:s4] =	dma.local [hbm:s3], $0xF7A  }
0x26: {  	[smem:$0x3F9E] =	sst s1;
	(tag) =	ssettag s2;
	_ =	strace s9  }
0x27: {  	s1 =	sld [smem:$0x3FAE]  }
0x28: {  	s2 =	sld [smem:$0x3FAF]  }
0x29: {  	s4 =	sld [smem:$0x3FB1]  }
0x2a: {  	p0 =	seq.s32 s5, $0x0;
	s5 =	sld [smem:$0x3FB2]  }
0x2b: {  	s6 =	sld [smem:$0x3FB3]  }
0x2c: {  	s7 =	sld [smem:$0x3FB4]  }
0x2d: {  	s3 =	simm.s32 $0x108;
	s8 =	sld [smem:$0x3FB5]  }
0x2e: {  	s3 =	simm.s32 @!p0 $0x1082;
	s9 =	sld [smem:$0x3FB6]  }
0x2f: {  	lr =	sadd.s32 s0, s3;
	s0 =	sld [smem:$0x3FAD]  }
0x30: {  	s3 =	sld [smem:$0x3FB0]  }
0x31: {  	[smem:$0x3FB9] =	sst s10  }
0x32: {  	s10 =	sld [smem:$0x3FB7];
	_ =	sdelay $0x3  }
0x33: {  	p0 =	seq.s32 s10, $0x1;
	s10 =	sld [smem:$0x3FB9];
	_ =	sdelay $0x3  }
0x34: {  	[smem:$0x3FB9] =	sst s10  }
0x35: {  	s10 =	sld [smem:$0x3FB8];
	_ =	sdelay $0x3  }
0x36: {  	p1 =	seq.s32 s10, $0x1;
	s10 =	sld [smem:$0x3FB9];
	_ =	sdelay $0x3  }
0x37: {  	[smem:$0x3FB9] =	sst s10  }
0x38: {  	s10 =	sld [smem:$0x3FBA]  }
0x39: {  	_ = 	snop;
	(pc) =	sbr.ind lr, $3  }
0x3a: {  	_ = 	snop  }
0x3b: {  	_ = 	snop  }
0x3c: {  	p2 =	seq.s32 s10, $0x1;
	s10 =	sld [smem:$0x3FB9]  }
0x3d: {  	_ =	shalt  }
0x3e: {  	_ =	shalt  }
0x3f: {  	_ =	shalt  }
0x40: {  	_ =	shalt  }
0x41: {  	_ =	shalt  }
0x42: {  	_ =	shalt  }
0x43: {  	_ =	shalt  }
0x44: {  	_ =	shalt  }
0x45: {  	_ =	shalt  }
0x46: {  	_ =	shalt  }
0x47: {  	_ =	shalt  }
0x48: {  	_ =	shalt  }
0x49: {  	_ =	shalt  }
0x4a: {  	_ =	shalt  }
0x4b: {  	_ =	shalt  }
0x4c: {  	_ =	shalt  }
0x4d: {  	_ =	shalt  }
0x4e: {  	_ =	shalt  }
0x4f: {  	_ =	shalt  }
0x50: {  	_ =	shalt  }
0x51: {  	_ =	shalt  }
0x52: {  	_ =	shalt  }
0x53: {  	_ =	shalt  }
0x54: {  	_ =	shalt  }
0x55: {  	_ =	shalt  }
0x56: {  	_ =	shalt  }
0x57: {  	_ =	shalt  }
0x58: {  	_ =	shalt  }
0x59: {  	_ =	shalt  }
0x5a: {  	_ =	shalt  }
0x5b: {  	_ =	shalt  }
0x5c: {  	_ =	shalt  }
0x5d: {  	_ =	shalt  }
0x5e: {  	_ =	shalt  }
0x5f: {  	_ =	shalt  }
0x60: {  	_ =	shalt  }
0x61: {  	_ =	shalt  }
0x62: {  	_ =	shalt  }
0x63: {  	_ =	shalt  }
0x64: {  	_ =	shalt  }
0x65: {  	_ =	shalt  }
0x66: {  	_ =	shalt  }
0x67: {  	_ =	shalt  }
0x68: {  	_ =	shalt  }
0x69: {  	_ =	shalt  }
0x6a: {  	_ =	shalt  }
0x6b: {  	_ =	shalt  }
0x6c: {  	_ =	shalt  }
0x6d: {  	_ =	shalt  }
0x6e: {  	_ =	shalt  }
0x6f: {  	_ =	shalt  }
0x70: {  	_ =	shalt  }
0x71: {  	_ =	shalt  }
0x72: {  	_ =	shalt  }
0x73: {  	_ =	shalt  }
0x74: {  	_ =	shalt  }
0x75: {  	_ =	shalt  }
0x76: {  	_ =	shalt  }
0x77: {  	_ =	shalt  }
0x78: {  	_ =	shalt  }
0x79: {  	_ =	shalt  }
0x7a: {  	_ =	shalt  }
0x7b: {  	_ =	shalt  }
0x7c: {  	_ =	shalt  }
0x7d: {  	_ =	shalt  }
0x7e: {  	_ =	shalt  }
0x7f: {  	_ =	shalt  }
0x80: {  	_ =	shalt  }
0x81: {  	_ =	shalt  }
0x82: {  	_ =	shalt  }
0x83: {  	_ =	shalt  }
0x84: {  	_ =	shalt  }
0x85: {  	_ =	shalt  }
0x86: {  	_ =	shalt  }
0x87: {  	_ =	shalt  }
.Lfunc_end0:
.L_simem_size_0:
called_computation.2_lowered:
.L_overlay_start_0:
0x88: {  	s2 =	sld [smem:$0x3FD9]  }
0x89: {  	s3 =	sld [smem:$0x3FFE];
	_ =	sdelay $0x1  }
0x8a: {  	s1 =	srdreg.scid  }
0x8b: {  	s0 =	sand.u32 $0x1, s1  }
0x8c: {  	s16 =	sshll.u32 s0, $0xA;
	s2 =	sadd.s32 s3, s2  }
0x8d: {  	s2 =	sadd.s32 s2, s16  }
0x8e: {  	[smem:$0x3FC5] =	sst s2  }
0x8f: {  	_ = 	snop  }
0x90: {  	(tm) =	ssettm $0x1  }
0x91: {  	s17 =	sld [smem:$0x3FFB];
	_ =	sdelay $0x3  }
0x92: {  	_ =	strace s17  }
0x93: {  	s2 =	sld [smem:$0x3FFC];
	_ =	sdelay $0x3  }
0x94: {  	_ =	strace s2  }
0x95: {  	s2 =	sld [smem:$0x3FFD];
	_ =	sdelay $0x3  }
0x96: {  	_ =	strace s2  }
0x97: {  	_ =	strace $0x8FFFFFFF  }
0x98: {  	s18 =	sld [smem:$0x3FDB];
	_ =	sdelay $0x1  }
0x99: {  	s19 =	simm.s32 $_scs_section_size  }
0x9a: {  	s4 =	simm.s32 $_size__tile_overlayer_lowered;
	s5 =	simm.s32 $_tile_overlayer_lowered  }
0x9b: {  	s22 =	simm.s32 $0x1BFF;
	s21 =	sshll.u32 s5, $0x1;
	s2 =	sadd.s32 s19, s18  }
0x9c: {  	s6 =	simm.s32 $0x0;
	s20 =	sshll.u32 s4, $0x1;
	s4 =	sadd.s32 s21, s2  }
0x9d: {  	[timem:s6], [sflag:s22] =	dma.local [hbm:s4], s20  }
0x9e: {  	_ =	swait.ge [sflag:s22], s20  }
0x9f: {  	s3 =	ssub.s32 $0x0, s20;
	[sflag:s22] =	ssyncset.done $0x0  }
0xa0: {  	[sflag:s22] =	ssyncadd.s32 s3;
	_ =	sdelay $0x1  }
0xa1: {  	s23 =	simm.s32 $0x1B8B  }
0xa2: {  	_ =	swait.ge [sflag:s23], $0x1  }
0xa3: {  	[sflag:s23] =	ssyncset.done $0x0  }
0xa4: {  	s25 =	simm.s32 $0x1B8E;
	s24 =	sld [smem:$0x3FFE];
	[sflag:s23] =	ssyncadd.s32 $0xFFFFFFFF  }
0xa5: {  	s26 =	simm.s32 $execute0_lowered;
	[smem:$0x3FD2] =	sst s25  }
0xa6: {  	s4 =	sshll.u32 s26, $0x1;
	_ =	strace $0x80000049;
	[dreg:$0x1] =	wrdreg $0xFFFFFFFF  }
0xa7: {  	s28 =	simm.s32 $_size_execute0_lowered;
	s2 =	sadd.s32 s2, s4;
	[dreg:$0x0] =	wrdreg $0x0  }
0xa8: {  	s4 =	sshll.u32 s28, $0x1;
	[dreg:$0x2] =	wrdreg s2  }
0xa9: {  	[dreg:$0x3] =	wrdreg s4  }
0xaa: {  	[dreg:$0x4] =	wrdreg $0xC0  }
0xab: {  	_ =	task [dreg:s6], $0x5FFFF  }
0xac: {  	[dreg:$0x1] =	wrdreg $0xFFFFFFFF  }
0xad: {  	[dreg:$0x0] =	wrdreg $0x60  }
0xae: {  	[dreg:$0x2] =	wrdreg s24  }
0xaf: {  	[dreg:$0x3] =	wrdreg $0x9  }
0xb0: {  	_ =	task.clear_ibuf [dreg:s6], $0x4FFFF;
	_ =	strace $0x90000049  }
0xb1: {  	s29 =	simm.s32 $0x9;
	_ =	strace $0x8000004B  }
0xb2: {  	_ =	swait.ge [sflag:s29], $0x1  }
0xb3: {  	[sflag:s29] =	ssyncadd.s32 $0xFFFFFFFF  }
0xb4: {  	_ =	strace $0x9000004B  }
0xb5: {  	_ =	sfence  }
0xb6: {  	s30 =	sld [smem:$0x0];
	_ =	sdelay $0x2  }
0xb7: {  	s31 =	sshll.u32 s1, $0xD;
	s1 =	sshrl.u32 s1, $0x2  }
0xb8: {  	s3 =	sand.u32 $0x4000, s31;
	s1 =	sadd.s32 s1, s30  }
0xb9: {  	s0 =	sor.u32 s3, s0;
	s1 =	sshll.u32 s1, $0x11  }
0xba: {  	s0 =	sor.u32 s1, s0  }
0xbb: {  	s0 =	sadd.s32 $0x8F2B, s0  }
0xbc: {  	[sflag:s0] =	ssyncadd.remote.s32 $0x1  }
0xbd: {  	_ =	sfence.sel $0xFFFF  }
0xbe: {  	[dreg:$0x0] =	wrdreg $0xFFFFFFFF;
	(pc) =	sbr.abs _section_cstart, $3  }
0xbf: {  	[dreg:$0x1] =	wrdreg $0xFFFFFFFF  }
0xc0: {  	_ =	task.clear_ibuf [dreg:s6], $0x2FFFF;
	_ =	strace $0x9FFFFFFF  }
0xc1: {  	(tm) =	ssettm $0x7FFFFFFF  }
tec
execute0_lowered:
.L_overlay_start_1:
0x0: {  	(tag) =	ssettag $0x1  }
0x1: {  	s8 =	rddreg [dreg:$0x0];
	s1 =	stileid.u32  }
0x2: {  	s2 =	srdreg.scid;
	s0 =	rddreg [dreg:$0x1]  }
0x3: {  	_ =	strace $0x8000004A;
	s5 =	simm.s32 $0x1;
	s9 =	simm.s32 $0x1  }
0x4: {  	s10 =	simm.s32 $0x3;
	s2 =	sand.u32 $0x1, s2;
	s3 =	sshll.u32 s1, $0x1  }
0x5: {  	s13 =	simm.s32 $0x0;
	s12 =	simm.s32 $0x0;
	s6 =	sor.u32 s3, s2  }
0x6: {  	[sflag:s5] =	ssyncpa.u1 $0x0;
	s2 =	sadd.s32 $0x15A800, s8;
	s4 =	smul.u32 $0x1900, s6  }
0x7: {  	s3 =	sadd.s32 $0xFC00, s8;
	p0 =	slt.u32 s6, $0x9;
	s6 =	simm.s32 $0x32000  }
.Ltmp0:
0x8: {  	s6 =	simm.s32 @!p0 $0x0;
	s7 =	ssub.s32 $0x3E800, s4;
	(pc) =	sbr.rel .LBB2_1-.Ltmp0, $4  }
0x9: {  	s9 =	simm.s32 @!p0 $0x0;
	p0 =	sne.s32 s7, s6;
	s7 =	simm.s32 $0x1  }
0xa: {  	s8 =	sadd.s32 $0x40E00, s8;
	s6 =	simm.s32 $0x2;
	s7 =	simm.s32 @!p0 $0x0  }
0xb: {  	s11 =	smov.u32 s4;
	[sflag:s6] =	ssyncpa.u1 $0x0;
	s7 =	sadd.s32 s9, s7  }
0xc: {  	vm0 =	vmmov $0xffff;
	[sflag:s10] =	ssyncpa.u1 $0x0;
	s10 =	simm.s32 $0x0;
	s9 =	sadd.s32 $0x1, s7  }
.LBB2_4:
0xd: {  	vm1 =	veq.s32 v4, $0x80000000;
	v56 =	vand.u32 $0x3FF, v4;
	v6 =	vand.u32 $0x3FFF, v6  }
0xe: {  	v2 =	vor.u32 v2, v5;
	v59 =	vshrl.u32 v1, $0xA;
	v60 =	vand.u32 $0x3FF, v1  }
0xf: {  	v4 =	vsel vm1, $0xFFFFFFFF, v56;
	v6 =	vsel vm1, $0xFFFFFFFF, v6;
	v2 =	vor.u32 v3, v2  }
0x10: {  	vm1 =	veq.s32 v1, $0x80000000;
	v5 =	vand.u32 $0x3FFF, v59;
	v7 =	vshrl.u32 v4, $0x3  }
0x11: {  	v57 =	vshll.u32 v6, $0x3;
	v4 =	vshll.u32 v4, $0x7;
	v1 =	vsel vm1, $0xFFFFFFFF, v60  }
0x12: {  	v5 =	vsel vm1, $0xFFFFFFFF, v5;
	v6 =	vand.u32 $0x7F, v6;
	v7 =	vmul.u32 $0x1F800, v7  }
0x13: {  	v58 =	vand.u32 $0xFFFFFC00, v57;
	v4 =	vand.u32 $0x380, v4;
	v61 =	vshrl.u32 v1, $0x3  }
0x14: {  	v62 =	vshll.u32 v5, $0x3;
	v3 =	vadd.s32 v7, v58;
	v7 =	vmul.u32 $0x1F800, v61  }
0x15: {  	v1 =	vshll.u32 v1, $0x7;
	v3 =	vor.u32 v4, v3;
	v4 =	vand.u32 $0xFFFFFC00, v62  }
0x16: {  	v1 =	vand.u32 $0x380, v1;
	v3 =	vor.u32 v6, v3;
	v4 =	vadd.s32 v7, v4  }
0x17: {  	[tilespmem:s16], [sflag:$0x1] =	stream.indirect_vreg.gather [hbm4b:s2+s10], $0x1, v0, vm0, $0x4038;
	v63 =	vand.u32 $0x7F, v5;
	v1 =	vor.u32 v1, v4;
	[tilespmem:$0x6400] =	vst v63  }
0x18: {  	s15 =	sadd.s32 $0x10, s15;
	(ifvalue) =	ssetifvalue $0x7FFFFFFF;
	v0 =	vor.u32 v63, v1  }
0x19: {  	[tilespmem:s15], [sflag:$0x1] =	stream.indirect_vreg.gather [hbm4b:s2+s10], $0x1, v2, vm0, $0x4038;
	[tilespmem:$0x6400] =	vst v63  }
0x1a: {  	s15 =	sadd.s32 $0x10, s15;
	(ifvalue) =	ssetifvalue $0x7FFFFFFF  }
0x1b: {  	[tilespmem:s15], [sflag:$0x1] =	stream.indirect_vreg.gather [hbm4b:s2+s10], $0x1, v3, vm0, $0x4038;
	[tilespmem:$0x6400] =	vst v63  }
0x1c: {  	s15 =	sadd.s32 $0x10, s15;
	(ifvalue) =	ssetifvalue $0x7FFFFFFF  }
0x1d: {  	[tilespmem:s15], [sflag:$0x1] =	stream.indirect_vreg.gather [hbm4b:s2+s10], $0x1, v0, vm0, $0x4038;
	[tilespmem:$0x6400] =	vst v63  }
0x1e: {  	_ =	swait.ge [sflag:s5], $0x1900  }
0x1f: {  	s30 =	sshrl.u32 s13, $0x3;
	[sflag:s5] =	ssyncset.done $0x0  }
0x20: {  	s31 =	sand.u32 $0x7, s13;
	s15 =	sadd.s32 s8, s30;
	[sflag:s5] =	ssyncadd.s32 $0xFFFFE700  }
0x21: {  	[hbm4b:s15+s31] =	stream.linear.scatter [tilespmem:s14], [sflag:$0x3], $0x1900, $0x38;
	[tilespmem:$0x6400] =	vst v63  }
.LBB2_5:
0x22: {  	s15 =	sadd.s32 $0x32000, s11  }
0x23: {  	p1 =	sgt.s32 s15, $0x3E7FF  }
0x24: {  	s15 =	smov.u32 @p1 s4;
	p1 =	sne.s32 s12, s9  }
.Ltmp1:
0x25: {  	p0 =	slt.u32 s12, $0x2;
	(pc) =	sbr.rel @!p1 .LBB2_6-.Ltmp1, $4  }
0x26: {  	s14 =	simm.s32 @!p0 $0x3  }
0x27: {  	_ =	swait.ge @!p0 [sflag:s14], $0x1900  }
0x28: {  	s16 =	sadd.s32 $0x1, s12;
	s13 =	smov.u32 s11;
	[sflag:s14] =	ssyncset.done @!p0 $0x0  }
0x29: {  	s12 =	smov.u32 s16;
	s11 =	smov.u32 s15;
	[sflag:s14] =	ssyncadd.s32 @!p0 $0xFFFFE700  }
.LBB2_1:
0x2a: {  	p0 =	sge.u32 s12, s7  }
0x2b: {  	s14 =	sxor.u32 @!p0 $0x1, s12  }
0x2c: {  	s14 =	smul.u32 @!p0 $0x6400, s14  }
0x2d: {  	s31 =	sadd.s32 $0xFFFFFFFF, s12;
	s15 =	sshrl.u32 @!p0 s11, $0x3  }
0x2e: {  	s16 =	sand.u32 @!p0 $0x7, s11;
	s15 =	sadd.s32 @!p0 s3, s15;
	s14 =	sshra.s32 @!p0 s14, $0x2  }
0x2f: {  	[tilespmem:s14], [sflag:$0x2] =	stream.linear.gather @!p0 [hbm4b:s15+s16], $0x1900, $0x38;
	[tilespmem:$0x6400] =	vst v63  }
0x30: {  	p0 =	sge.u32 s31, s7  }
.Ltmp2:
0x31: {  	_ = 	snop;
	(pc) =	sbr.rel @p0 .LBB2_5-.Ltmp2, $1  }
0x32: {  	_ =	sdelay $0x3  }
0x33: {  	s14 =	sand.u32 $0x1, s12  }
0x34: {  	_ =	swait.ge [sflag:s6], $0x1900;
	p0 =	seq.s32 s14, $0x1;
	s14 =	simm.s32 $0x1900  }
0x35: {  	[sflag:s6] =	ssyncset.done $0x0;
	s14 =	simm.s32 @!p0 $0x0  }
0x36: {  	[sflag:s6] =	ssyncadd.s32 $0xFFFFE700;
	(ifvalue) =	ssetifvalue $0x7FFFFFFF;
	v0 =	vld.msk [tilespmem:s14+$0x0 ss:$0x1], $0xffff  }
0x37: {  	s15 =	sadd.s32 $0x10, s14  }
0x38: {  	v1 =	vld.msk [tilespmem:s15+$0x0 ss:$0x1], $0xffff;
	_ =	sdelay $0x2  }
0x39: {  	v2 =	vshrl.u32 v0, $0xA  }
0x3a: {  	vm1 =	veq.s32 v0, $0x80000000;
	v0 =	vand.u32 $0x3FF, v0;
	v2 =	vand.u32 $0x3FFF, v2  }
0x3b: {  	v0 =	vsel vm1, $0xFFFFFFFF, v0;
	v6 =	vshrl.u32 v1, $0xA;
	v2 =	vsel vm1, $0xFFFFFFFF, v2  }
0x3c: {  	v3 =	vshrl.u32 v0, $0x3;
	v0 =	vshll.u32 v0, $0x7;
	vm1 =	veq.s32 v1, $0x80000000  }
0x3d: {  	s15 =	sadd.s32 $0x10, s15;
	v1 =	vand.u32 $0x3FF, v1;
	v4 =	vshll.u32 v2, $0x3;
	v3 =	vmul.u32 $0x1F800, v3  }
0x3e: {  	v0 =	vand.u32 $0x380, v0;
	v7 =	vand.u32 $0x7F, v2;
	v5 =	vand.u32 $0xFFFFFC00, v4;
	v4 =	vld.msk [tilespmem:s15+$0x0 ss:$0x1], $0xffff  }
0x3f: {  	v1 =	vsel vm1, $0xFFFFFFFF, v1;
	v2 =	vadd.s32 v3, v5;
	v3 =	vand.u32 $0x3FFF, v6  }
0x40: {  	v3 =	vsel vm1, $0xFFFFFFFF, v3;
	v0 =	vor.u32 v0, v2;
	v2 =	vshrl.u32 v1, $0x3  }
0x41: {  	v1 =	vshll.u32 v1, $0x7;
	v5 =	vshll.u32 v3, $0x3;
	v8 =	vmul.u32 $0x1F800, v2  }
0x42: {  	s18 =	simm.s32 $0x30;
	s14 =	sadd.s32 $0x3200, s14;
	s17 =	sadd.s32 $0x10, s15;
	v2 =	vand.u32 $0x380, v1;
	v0 =	vor.u32 v7, v0;
	v5 =	vand.u32 $0xFFFFFC00, v5  }
0x43: {  	s16 =	smov.u32 s14;
	s15 =	smov.u32 s14;
	v1 =	vld.msk [tilespmem:s17+$0x0 ss:$0x1], $0xffff;
	v3 =	vand.u32 $0x7F, v3;
	(ifvalue) =	ssetifvalue $0x7FFFFFFF;
	v6 =	vshrl.u32 v4, $0xA;
	v5 =	vadd.s32 v8, v5  }
.LBB2_3:
0x44: {  	s18 =	sadd.s32 $0x10, s18  }
0x45: {  	vm1 =	veq.s32 v4, $0x80000000;
	v4 =	vand.u32 $0x3FF, v4;
	v6 =	vand.u32 $0x3FFF, v6;
	s15 =	sadd.s32 $0x10, s15;
	p0 =	slt.u32 s18, $0x18F0  }
.Ltmp3:
0x46: {  	v5 =	vor.u32 v2, v5;
	v4 =	vsel vm1, $0xFFFFFFFF, v4;
	v7 =	vsel vm1, $0xFFFFFFFF, v6;
	(pc) =	sbr.rel @p0 .LBB2_3-.Ltmp3, $4  }
0x47: {  	v2 =	vshrl.u32 v4, $0x3;
	v6 =	vshll.u32 v7, $0x3;
	v4 =	vshll.u32 v4, $0x7;
	[tilespmem:s16], [sflag:$0x1] =	stream.indirect_vreg.gather [hbm4b:s2+s10], $0x1, v0, vm0, $0x4038;
	[tilespmem:$0x6400] =	vst v63  }
0x48: {  	v0 =	vor.u32 v3, v5;
	s16 =	smov.u32 s15;
	v8 =	vmul.u32 $0x1F800, v2;
	v2 =	vand.u32 $0x380, v4  }
0x49: {  	s17 =	sadd.s32 $0x10, s17;
	v9 =	vand.u32 $0xFFFFFC00, v6  }
0x4a: {  	v3 =	vand.u32 $0x7F, v7;
	v6 =	vshrl.u32 v1, $0xA;
	v5 =	vadd.s32 v8, v9;
	(ifvalue) =	ssetifvalue $0x7FFFFFFF;
	v4 =	vmovc v1;
	v1 =	vld.msk [tilespmem:s17+$0x0 ss:$0x1], $0xffff  }
.Ltmp4:
0x4b: {  	_ = 	snop;
	(pc) =	sbr.rel .LBB2_4-.Ltmp4, $1  }
0x4c: {  	_ =	sdelay $0x3  }
.LBB2_6:
0x4d: {  	_ =	sfence.sel $0x180000  }
0x4e: {  	s2 =	simm.s32 $0x2;
	[bflag:$0x0] =	sbarrier.arrive $0xFFFF  }
0x4f: {  	s30 =	simm.s32 $0x3;
	[sflag:s2] =	ssyncpa.u1 $0x1  }
0x50: {  	s31 =	simm.s32 $0x1;
	[sflag:s30] =	ssyncpa.u1 $0x1  }
0x51: {  	[sflag:s31] =	ssyncpa.u1 $0x1  }
0x52: {  	p0 =	sne.s32 s1, $0x0;
	_ =	strace $0x9000004A  }
0x53: {  	s0 =	sadd.s32 @!p0 $0x100000, s0;
	[bflag:$0x2] =	sbarrier.arrive $0xFFFF  }
0x54: {  	[sflag:s0] =	ssyncadd.tile.s32 @!p0 $0x1;
	_ =	shalt  }
.Lfunc_end2:
_tile_overlayer_lowered:
.L_overlay_start_2:
0x55: {  	(tag) =	ssettag $0x2  }
0x56: {  	s0 =	rddreg [dreg:$0x0];
	s2 =	stileid.u32  }
0x57: {  	s1 =	rddreg [dreg:$0x1];
	p0 =	sne.s32 s2, $0x0  }
0x58: {  	s3 =	rddreg [dreg:$0x2];
	[bflag:$0x3] =	sbarrier.arrive $0xFFFF;
	s2 =	simm.s32 @!p0 $0x1C01  }
0x59: {  	[timem:s3], [sflag:s2] =	dma.local @!p0 [hbm:s0], s1  }
0x5a: {  	s0 =	simm.s32 @!p0 $0x1  }
0x5b: {  	_ =	swait.ge @!p0 [sflag:s0], s1  }
0x5c: {  	s1 =	ssub.s32 @!p0 $0x0, s1;
	[sflag:s0] =	ssyncset.done @!p0 $0x0  }
0x5d: {  	[sflag:s0] =	ssyncadd.s32 @!p0 s1  }
0x5e: {  	[bflag:$0x3] =	sbarrier.arrive $0xFFFF  }
0x5f: {  	_ =	shalt  }

// kernel: gather_offload_async_start
scs
__scs_entry_jumppad:
0x0: {  	(pc) =	sbr.rel $0x88, $3  }
0x1: {  	(tag) =	ssettag $0x0;
	lr =	simm.s32 $0x1  }
0x2: {  	[smem:$0x3F9E] =	sst lr;
	_ =	strace $0xD0000000  }
0x3: {  	_ = 	snop  }
0x4: {  	_ = 	snop  }
0x5: {  	_ = 	snop  }
0x6: {  	_ = 	snop  }
0x7: {  	_ = 	snop  }
__scs_overlays_trampoline_lowered:
0x8: {  	[smem:$0x3FAD] =	sst s0  }
0x9: {  	[smem:$0x3FAE] =	sst s1  }
0xa: {  	[smem:$0x3FAF] =	sst s2  }
0xb: {  	[smem:$0x3FB0] =	sst s3  }
0xc: {  	[smem:$0x3FB1] =	sst s4  }
0xd: {  	[smem:$0x3FB2] =	sst s5  }
0xe: {  	[smem:$0x3FB3] =	sst s6  }
0xf: {  	[smem:$0x3FB4] =	sst s7  }
0x10: {  	[smem:$0x3FB5] =	sst s8  }
0x11: {  	[smem:$0x3FB6] =	sst s9;
	s0 =	simm.s32 @!p0 $0x0  }
0x12: {  	s1 =	sld [smem:$0x3F9C];
	s0 =	simm.s32 @p0 $0x1  }
0x13: {  	[smem:$0x3FB7] =	sst s0;
	s0 =	simm.s32 @!p1 $0x0  }
0x14: {  	s2 =	sld [smem:$0x3F9B];
	s0 =	simm.s32 @p1 $0x1  }
0x15: {  	[smem:$0x3FB8] =	sst s0;
	s0 =	simm.s32 @!p2 $0x0  }
0x16: {  	s3 =	sld [smem:$0x3FDB];
	s0 =	simm.s32 @p2 $0x1  }
0x17: {  	s4 =	simm.s32 $0x1BF5;
	[smem:$0x3FBA] =	sst s0  }
0x18: {  	s0 =	sld [smem:$0x3F9D];
	_ =	swait.ge [sflag:s4], $0x0  }
0x19: {  	s7 =	sld [smem:$0x3F9E]  }
0x1a: {  	s8 =	sadd.s32 $0xFFFFE003, lr  }
0x1b: {  	s9 =	sadd.s32 $0xFFFFFEF7, lr;
	s5 =	simm.s32 $0xFFFFFFFF;
	p2 =	slt.u32 s8, $0xFFFFF086  }
0x1c: {  	p1 =	slt.u32 s9, $0xF7A;
	s5 =	simm.s32 @!p2 $0x0  }
0x1d: {  	s5 =	simm.s32 @p1 $0x1;
	p0 =	seq.s32 s7, s2  }
0x1e: {  	s7 =	smul.u32 @!p0 $0xF7A, s2;
	p2 =	seq.s32 @!p0 s5, $0x0  }
0x1f: {  	s9 =	smul.u32 $0xF7A, s1;
	s8 =	simm.s32 @!p0 $0x1BF5;
	p2 =	por !p2, p0  }
0x20: {  	[sflag:s8] =	ssyncset.s32 @!p0 $0xFFFFF086;
	s6 =	sadd.s32 @!p0 s3, s7;
	s7 =	simm.s32 @!p0 $0x108  }
0x21: {  	s3 =	sadd.s32 s3, s9;
	s6 =	sadd.s32 @!p0 $0x88, s6;
	s7 =	simm.s32 @p2 $0x1082  }
0x22: {  	[simem:s7], [sflag:s8] =	dma.local @!p0 [hbm:s6], $0xF7A  }
0x23: {  	s9 =	sor.u32 $0xD0000000, s2;
	s6 =	simm.s32 $0x108;
	_ =	swait.ge @!p0 [sflag:s8], $0x0  }
0x24: {  	s3 =	sadd.s32 $0x88, s3;
	s6 =	simm.s32 @!p1 $0x1082;
	[sflag:s4] =	ssyncset.s32 $0xFFFFF086  }
0x25: {  	[simem:s6], [sflag:s4] =	dma.local [hbm:s3], $0xF7A  }
0x26: {  	[smem:$0x3F9E] =	sst s1;
	(tag) =	ssettag s2;
	_ =	strace s9  }
0x27: {  	s1 =	sld [smem:$0x3FAE]  }
0x28: {  	s2 =	sld [smem:$0x3FAF]  }
0x29: {  	s4 =	sld [smem:$0x3FB1]  }
0x2a: {  	p0 =	seq.s32 s5, $0x0;
	s5 =	sld [smem:$0x3FB2]  }
0x2b: {  	s6 =	sld [smem:$0x3FB3]  }
0x2c: {  	s7 =	sld [smem:$0x3FB4]  }
0x2d: {  	s3 =	simm.s32 $0x108;
	s8 =	sld [smem:$0x3FB5]  }
0x2e: {  	s3 =	simm.s32 @!p0 $0x1082;
	s9 =	sld [smem:$0x3FB6]  }
0x2f: {  	lr =	sadd.s32 s0, s3;
	s0 =	sld [smem:$0x3FAD]  }
0x30: {  	s3 =	sld [smem:$0x3FB0]  }
0x31: {  	[smem:$0x3FB9] =	sst s10  }
0x32: {  	s10 =	sld [smem:$0x3FB7];
	_ =	sdelay $0x3  }
0x33: {  	p0 =	seq.s32 s10, $0x1;
	s10 =	sld [smem:$0x3FB9];
	_ =	sdelay $0x3  }
0x34: {  	[smem:$0x3FB9] =	sst s10  }
0x35: {  	s10 =	sld [smem:$0x3FB8];
	_ =	sdelay $0x3  }
0x36: {  	p1 =	seq.s32 s10, $0x1;
	s10 =	sld [smem:$0x3FB9];
	_ =	sdelay $0x3  }
0x37: {  	[smem:$0x3FB9] =	sst s10  }
0x38: {  	s10 =	sld [smem:$0x3FBA]  }
0x39: {  	_ = 	snop;
	(pc) =	sbr.ind lr, $3  }
0x3a: {  	_ = 	snop  }
0x3b: {  	_ = 	snop  }
0x3c: {  	p2 =	seq.s32 s10, $0x1;
	s10 =	sld [smem:$0x3FB9]  }
0x3d: {  	_ =	shalt  }
0x3e: {  	_ =	shalt  }
0x3f: {  	_ =	shalt  }
0x40: {  	_ =	shalt  }
0x41: {  	_ =	shalt  }
0x42: {  	_ =	shalt  }
0x43: {  	_ =	shalt  }
0x44: {  	_ =	shalt  }
0x45: {  	_ =	shalt  }
0x46: {  	_ =	shalt  }
0x47: {  	_ =	shalt  }
0x48: {  	_ =	shalt  }
0x49: {  	_ =	shalt  }
0x4a: {  	_ =	shalt  }
0x4b: {  	_ =	shalt  }
0x4c: {  	_ =	shalt  }
0x4d: {  	_ =	shalt  }
0x4e: {  	_ =	shalt  }
0x4f: {  	_ =	shalt  }
0x50: {  	_ =	shalt  }
0x51: {  	_ =	shalt  }
0x52: {  	_ =	shalt  }
0x53: {  	_ =	shalt  }
0x54: {  	_ =	shalt  }
0x55: {  	_ =	shalt  }
0x56: {  	_ =	shalt  }
0x57: {  	_ =	shalt  }
0x58: {  	_ =	shalt  }
0x59: {  	_ =	shalt  }
0x5a: {  	_ =	shalt  }
0x5b: {  	_ =	shalt  }
0x5c: {  	_ =	shalt  }
0x5d: {  	_ =	shalt  }
0x5e: {  	_ =	shalt  }
0x5f: {  	_ =	shalt  }
0x60: {  	_ =	shalt  }
0x61: {  	_ =	shalt  }
0x62: {  	_ =	shalt  }
0x63: {  	_ =	shalt  }
0x64: {  	_ =	shalt  }
0x65: {  	_ =	shalt  }
0x66: {  	_ =	shalt  }
0x67: {  	_ =	shalt  }
0x68: {  	_ =	shalt  }
0x69: {  	_ =	shalt  }
0x6a: {  	_ =	shalt  }
0x6b: {  	_ =	shalt  }
0x6c: {  	_ =	shalt  }
0x6d: {  	_ =	shalt  }
0x6e: {  	_ =	shalt  }
0x6f: {  	_ =	shalt  }
0x70: {  	_ =	shalt  }
0x71: {  	_ =	shalt  }
0x72: {  	_ =	shalt  }
0x73: {  	_ =	shalt  }
0x74: {  	_ =	shalt  }
0x75: {  	_ =	shalt  }
0x76: {  	_ =	shalt  }
0x77: {  	_ =	shalt  }
0x78: {  	_ =	shalt  }
0x79: {  	_ =	shalt  }
0x7a: {  	_ =	shalt  }
0x7b: {  	_ =	shalt  }
0x7c: {  	_ =	shalt  }
0x7d: {  	_ =	shalt  }
0x7e: {  	_ =	shalt  }
0x7f: {  	_ =	shalt  }
0x80: {  	_ =	shalt  }
0x81: {  	_ =	shalt  }
0x82: {  	_ =	shalt  }
0x83: {  	_ =	shalt  }
0x84: {  	_ =	shalt  }
0x85: {  	_ =	shalt  }
0x86: {  	_ =	shalt  }
0x87: {  	_ =	shalt  }
.Lfunc_end0:
.L_simem_size_0:
called_computation.1_lowered:
.L_overlay_start_0:
0x88: {  	s2 =	sld [smem:$0x3FD9]  }
0x89: {  	s3 =	sld [smem:$0x3FFE];
	_ =	sdelay $0x1  }
0x8a: {  	s1 =	srdreg.scid  }
0x8b: {  	s0 =	sand.u32 $0x1, s1  }
0x8c: {  	s16 =	sshll.u32 s0, $0xA;
	s2 =	sadd.s32 s3, s2  }
0x8d: {  	s2 =	sadd.s32 s2, s16  }
0x8e: {  	[smem:$0x3FC5] =	sst s2  }
0x8f: {  	_ = 	snop  }
0x90: {  	(tm) =	ssettm $0x1  }
0x91: {  	s17 =	sld [smem:$0x3FFB];
	_ =	sdelay $0x3  }
0x92: {  	_ =	strace s17  }
0x93: {  	s2 =	sld [smem:$0x3FFC];
	_ =	sdelay $0x3  }
0x94: {  	_ =	strace s2  }
0x95: {  	s2 =	sld [smem:$0x3FFD];
	_ =	sdelay $0x3  }
0x96: {  	_ =	strace s2  }
0x97: {  	_ =	strace $0x8FFFFFFF  }
0x98: {  	s18 =	sld [smem:$0x3FDB];
	_ =	sdelay $0x1  }
0x99: {  	s19 =	simm.s32 $_scs_section_size  }
0x9a: {  	s4 =	simm.s32 $_size__tile_overlayer_lowered;
	s5 =	simm.s32 $_tile_overlayer_lowered  }
0x9b: {  	s22 =	simm.s32 $0x1BFF;
	s21 =	sshll.u32 s5, $0x1;
	s2 =	sadd.s32 s19, s18  }
0x9c: {  	s6 =	simm.s32 $0x0;
	s20 =	sshll.u32 s4, $0x1;
	s4 =	sadd.s32 s21, s2  }
0x9d: {  	[timem:s6], [sflag:s22] =	dma.local [hbm:s4], s20  }
0x9e: {  	_ =	swait.ge [sflag:s22], s20  }
0x9f: {  	s3 =	ssub.s32 $0x0, s20;
	[sflag:s22] =	ssyncset.done $0x0  }
0xa0: {  	[sflag:s22] =	ssyncadd.s32 s3;
	_ =	sdelay $0x1  }
0xa1: {  	s23 =	simm.s32 $0x1B8B  }
0xa2: {  	_ =	swait.ge [sflag:s23], $0x1  }
0xa3: {  	[sflag:s23] =	ssyncset.done $0x0  }
0xa4: {  	s25 =	simm.s32 $0x1B8E;
	s24 =	sld [smem:$0x3FFE];
	[sflag:s23] =	ssyncadd.s32 $0xFFFFFFFF  }
0xa5: {  	s26 =	simm.s32 $execute0_lowered;
	[smem:$0x3FD2] =	sst s25  }
0xa6: {  	s4 =	sshll.u32 s26, $0x1;
	_ =	strace $0x8000004C;
	[dreg:$0x1] =	wrdreg $0xFFFFFFFF  }
0xa7: {  	s28 =	simm.s32 $_size_execute0_lowered;
	s2 =	sadd.s32 s2, s4;
	[dreg:$0x0] =	wrdreg $0x0  }
0xa8: {  	s4 =	sshll.u32 s28, $0x1;
	[dreg:$0x2] =	wrdreg s2  }
0xa9: {  	[dreg:$0x3] =	wrdreg s4  }
0xaa: {  	[dreg:$0x4] =	wrdreg $0xC0  }
0xab: {  	_ =	task [dreg:s6], $0x5FFFF  }
0xac: {  	[dreg:$0x1] =	wrdreg $0xFFFFFFFF  }
0xad: {  	[dreg:$0x0] =	wrdreg $0x60  }
0xae: {  	[dreg:$0x2] =	wrdreg s24  }
0xaf: {  	[dreg:$0x3] =	wrdreg $0x9  }
0xb0: {  	_ =	task.clear_ibuf [dreg:s6], $0x4FFFF;
	_ =	strace $0x9000004C  }
0xb1: {  	s29 =	simm.s32 $0x9;
	_ =	strace $0x8000004E  }
0xb2: {  	_ =	swait.ge [sflag:s29], $0x1  }
0xb3: {  	[sflag:s29] =	ssyncadd.s32 $0xFFFFFFFF  }
0xb4: {  	_ =	strace $0x9000004E  }
0xb5: {  	_ =	sfence  }
0xb6: {  	s30 =	sld [smem:$0x0];
	_ =	sdelay $0x2  }
0xb7: {  	s31 =	sshll.u32 s1, $0xD;
	s1 =	sshrl.u32 s1, $0x2  }
0xb8: {  	s3 =	sand.u32 $0x4000, s31;
	s1 =	sadd.s32 s1, s30  }
0xb9: {  	s0 =	sor.u32 s3, s0;
	s1 =	sshll.u32 s1, $0x11  }
0xba: {  	s0 =	sor.u32 s1, s0  }
0xbb: {  	s0 =	sadd.s32 $0x8F2B, s0  }
0xbc: {  	[sflag:s0] =	ssyncadd.remote.s32 $0x1  }
0xbd: {  	_ =	sfence.sel $0xFFFF  }
0xbe: {  	[dreg:$0x0] =	wrdreg $0xFFFFFFFF;
	(pc) =	sbr.abs _section_cstart, $3  }
0xbf: {  	[dreg:$0x1] =	wrdreg $0xFFFFFFFF  }
0xc0: {  	_ =	task.clear_ibuf [dreg:s6], $0x2FFFF;
	_ =	strace $0x9FFFFFFF  }
0xc1: {  	(tm) =	ssettm $0x7FFFFFFF  }
tec
execute0_lowered:
.L_overlay_start_1:
0x0: {  	(tag) =	ssettag $0x1  }
0x1: {  	s0 =	stileid.u32  }
0x2: {  	s1 =	srdreg.scid;
	s2 =	rddreg [dreg:$0x0]  }
0x3: {  	s5 =	simm.s32 $0x1;
	s8 =	simm.s32 $0x1;
	s9 =	simm.s32 $0x3  }
0x4: {  	s10 =	simm.s32 $0x0;
	s3 =	sand.u32 $0x1, s1;
	s4 =	sshll.u32 s0, $0x1  }
0x5: {  	s13 =	simm.s32 $0x0;
	s12 =	simm.s32 $0x0;
	s6 =	sor.u32 s4, s3  }
0x6: {  	s1 =	rddreg [dreg:$0x1];
	_ =	strace $0x8000004D;
	s4 =	smul.u32 $0x6400, s6  }
0x7: {  	s3 =	sadd.s32 $0x21A00, s2;
	p0 =	slt.u32 s6, $0x9;
	s6 =	simm.s32 $0xC8000  }
.Ltmp0:
0x8: {  	s6 =	simm.s32 @!p0 $0x0;
	s7 =	ssub.s32 $0xFA000, s4;
	(pc) =	sbr.rel .LBB2_1-.Ltmp0, $4  }
0x9: {  	s8 =	simm.s32 @!p0 $0x0;
	p0 =	sne.s32 s7, s6;
	s7 =	simm.s32 $0x1  }
0xa: {  	[sflag:s5] =	ssyncpa.u1 $0x0;
	s6 =	simm.s32 $0x2;
	s7 =	simm.s32 @!p0 $0x0  }
0xb: {  	s11 =	smov.u32 s4;
	[sflag:s6] =	ssyncpa.u1 $0x0;
	s7 =	sadd.s32 s8, s7  }
0xc: {  	vm0 =	vmmov $0xffff;
	s8 =	sadd.s32 $0x40E00, s2;
	[sflag:s9] =	ssyncpa.u1 $0x0;
	s9 =	sadd.s32 $0x1, s7  }
.LBB2_4:
0xd: {  	v6 =	vand.u32 $0x7F, v3;
	v4 =	vsel vm1, $0xFFFF0400, v4  }
0xe: {  	v5 =	vmul.u32 $0xFC00, v5;
	vm1 =	vmmov vm2;
	v56 =	vshll.u32 v3, $0x2  }
0xf: {  	v7 =	vand.u32 $0x7, v1;
	v2 =	vshll.u32 v2, $0x7;
	v57 =	vshrl.u32 v1, $0x3  }
0x10: {  	v58 =	vshrl.u32 v1, $0x5;
	v4 =	vor.u32 v4, v6;
	v3 =	vand.u32 $0xFFFFFE00, v56  }
0x11: {  	v2 =	vand.u32 $0x180, v2;
	v4 =	vadd.s32 v5, v4;
	v5 =	vand.u32 $0x3, v57  }
0x12: {  	v1 =	vand.u32 $0x3FFF, v58;
	v59 =	vmul.u32 $0xFC00, v7;
	v5 =	vsel vm1, $0xFFFFFFFF, v5  }
0x13: {  	v1 =	vsel vm1, $0xFFFFFFFF, v1;
	v3 =	vadd.s32 v3, v4;
	v60 =	vshrl.u32 v5, $0x2  }
0x14: {  	v61 =	vand.u32 $0x7F, v1;
	v6 =	vsel vm1, $0xFFFF0400, v59;
	v4 =	vmul.u32 $0xFC00, v60  }
0x15: {  	v1 =	vshll.u32 v1, $0x2;
	v2 =	vor.u32 v2, v3;
	v62 =	vor.u32 v6, v61  }
0x16: {  	v1 =	vand.u32 $0xFFFFFE00, v1;
	v5 =	vshll.u32 v5, $0x7;
	v3 =	vadd.s32 v4, v62  }
0x17: {  	v63 =	vand.u32 $0x180, v5;
	v1 =	vadd.s32 v1, v3  }
0x18: {  	(ifvalue) =	ssetifvalue $0x7FFFFFFF;
	s15 =	sadd.s32 $0x10, s15;
	v1 =	vor.u32 v63, v1  }
0x19: {  	[tilespmem:s15], [sflag:$0x1] =	stream.indirect_vreg.gather [hbm4b:s2+s10], $0x1, v0, vm0, $0x4038;
	[tilespmem:$0x19000] =	vst v63  }
0x1a: {  	(ifvalue) =	ssetifvalue $0x7FFFFFFF;
	s15 =	sadd.s32 $0x10, s15  }
0x1b: {  	[tilespmem:s15], [sflag:$0x1] =	stream.indirect_vreg.gather [hbm4b:s2+s10], $0x1, v2, vm0, $0x4038;
	[tilespmem:$0x19000] =	vst v63  }
0x1c: {  	(ifvalue) =	ssetifvalue $0x7FFFFFFF;
	s15 =	sadd.s32 $0x10, s15  }
0x1d: {  	[tilespmem:s15], [sflag:$0x1] =	stream.indirect_vreg.gather [hbm4b:s2+s10], $0x1, v1, vm0, $0x4038;
	[tilespmem:$0x19000] =	vst v63  }
0x1e: {  	_ =	swait.ge [sflag:s5], $0x6400  }
0x1f: {  	s30 =	sshrl.u32 s13, $0x3;
	[sflag:s5] =	ssyncset.done $0x0  }
0x20: {  	s31 =	sand.u32 $0x7, s13;
	s15 =	sadd.s32 s8, s30;
	[sflag:s5] =	ssyncadd.s32 $0xFFFF9C00  }
0x21: {  	[hbm4b:s15+s31] =	stream.linear.scatter [tilespmem:s14], [sflag:$0x3], $0x6400, $0x38;
	[tilespmem:$0x19000] =	vst v63  }
.LBB2_5:
0x22: {  	s15 =	sadd.s32 $0xC8000, s11  }
0x23: {  	p1 =	sgt.s32 s15, $0xF9FFF  }
0x24: {  	s15 =	smov.u32 @p1 s4;
	p1 =	sne.s32 s12, s9  }
.Ltmp1:
0x25: {  	p0 =	slt.u32 s12, $0x2;
	(pc) =	sbr.rel @!p1 .LBB2_6-.Ltmp1, $4  }
0x26: {  	s14 =	simm.s32 @!p0 $0x3  }
0x27: {  	_ =	swait.ge @!p0 [sflag:s14], $0x6400  }
0x28: {  	s16 =	sadd.s32 $0x1, s12;
	s13 =	smov.u32 s11;
	[sflag:s14] =	ssyncset.done @!p0 $0x0  }
0x29: {  	s12 =	smov.u32 s16;
	s11 =	smov.u32 s15;
	[sflag:s14] =	ssyncadd.s32 @!p0 $0xFFFF9C00  }
.LBB2_1:
0x2a: {  	p0 =	sge.u32 s12, s7  }
0x2b: {  	s14 =	sxor.u32 @!p0 $0x1, s12  }
0x2c: {  	s14 =	smul.u32 @!p0 $0x19000, s14  }
0x2d: {  	s31 =	sadd.s32 $0xFFFFFFFF, s12;
	s15 =	sshrl.u32 @!p0 s11, $0x3  }
0x2e: {  	s16 =	sand.u32 @!p0 $0x7, s11;
	s15 =	sadd.s32 @!p0 s3, s15;
	s14 =	sshra.s32 @!p0 s14, $0x2  }
0x2f: {  	[tilespmem:s14], [sflag:$0x2] =	stream.linear.gather @!p0 [hbm4b:s15+s16], $0x6400, $0x38;
	[tilespmem:$0x19000] =	vst v63  }
0x30: {  	p0 =	sge.u32 s31, s7  }
.Ltmp2:
0x31: {  	_ = 	snop;
	(pc) =	sbr.rel @p0 .LBB2_5-.Ltmp2, $1  }
0x32: {  	_ =	sdelay $0x3  }
0x33: {  	s14 =	sand.u32 $0x1, s12  }
0x34: {  	_ =	swait.ge [sflag:s6], $0x6400;
	p0 =	seq.s32 s14, $0x1;
	s14 =	simm.s32 $0x6400  }
0x35: {  	[sflag:s6] =	ssyncset.done $0x0;
	s14 =	simm.s32 @!p0 $0x0  }
0x36: {  	[sflag:s6] =	ssyncadd.s32 $0xFFFF9C00;
	(ifvalue) =	ssetifvalue $0x7FFFFFFF;
	v0 =	vld.msk [tilespmem:s14+$0x0 ss:$0x1], $0xffff;
	_ =	sdelay $0x1  }
0x37: {  	s15 =	sadd.s32 $0x10, s14  }
0x38: {  	v1 =	vld.msk [tilespmem:s15+$0x0 ss:$0x1], $0xffff;
	s15 =	sadd.s32 $0x10, s15  }
0x39: {  	v6 =	vld.msk [tilespmem:s15+$0x0 ss:$0x1], $0xffff  }
0x3a: {  	vm1 =	veq.s32 v0, $0x80000000;
	v2 =	vand.u32 $0x7, v0  }
0x3b: {  	v3 =	vshrl.u32 v0, $0x3;
	v0 =	vshrl.u32 v0, $0x5;
	vm1 =	vmmov vm1  }
0x3c: {  	v3 =	vand.u32 $0x3, v3;
	v0 =	vand.u32 $0x3FFF, v0;
	v2 =	vmul.u32 $0xFC00, v2  }
0x3d: {  	vm2 =	veq.s32 v1, $0x80000000;
	v7 =	vand.u32 $0x7, v1;
	v3 =	vsel vm1, $0xFFFFFFFF, v3  }
0x3e: {  	v0 =	vsel vm1, $0xFFFFFFFF, v0;
	v8 =	vand.u32 $0x7, v6;
	v4 =	vshrl.u32 v3, $0x2  }
0x3f: {  	v5 =	vand.u32 $0x7F, v0;
	v2 =	vsel vm1, $0xFFFF0400, v2;
	vm1 =	vmmov vm2  }
0x40: {  	v0 =	vshll.u32 v0, $0x2;
	v3 =	vshll.u32 v3, $0x7;
	v4 =	vmul.u32 $0xFC00, v4  }
0x41: {  	v2 =	vor.u32 v2, v5;
	v0 =	vand.u32 $0xFFFFFE00, v0;
	v3 =	vand.u32 $0x180, v3  }
0x42: {  	v2 =	vadd.s32 v4, v2;
	v4 =	vshrl.u32 v1, $0x3;
	v1 =	vshrl.u32 v1, $0x5  }
0x43: {  	v0 =	vadd.s32 v0, v2;
	v2 =	vand.u32 $0x3, v4;
	v1 =	vand.u32 $0x3FFF, v1  }
0x44: {  	v0 =	vor.u32 v3, v0;
	v2 =	vsel vm1, $0xFFFFFFFF, v2;
	v3 =	vmul.u32 $0xFC00, v7  }
0x45: {  	vm2 =	veq.s32 v6, $0x80000000;
	v4 =	vsel vm1, $0xFFFFFFFF, v1;
	v1 =	vshrl.u32 v2, $0x2  }
0x46: {  	s15 =	sadd.s32 $0x10, s15;
	v5 =	vand.u32 $0x7F, v4;
	v3 =	vsel vm1, $0xFFFF0400, v3;
	v7 =	vmul.u32 $0xFC00, v1  }
0x47: {  	v4 =	vshll.u32 v4, $0x2;
	v2 =	vshll.u32 v2, $0x7;
	v1 =	vld.msk [tilespmem:s15+$0x0 ss:$0x1], $0xffff;
	v3 =	vor.u32 v3, v5  }
0x48: {  	vm1 =	vmmov vm2;
	v4 =	vand.u32 $0xFFFFFE00, v4;
	v3 =	vadd.s32 v7, v3  }
0x49: {  	s14 =	sadd.s32 $0xC800, s14;
	(ifvalue) =	ssetifvalue $0x7FFFFFFF;
	v2 =	vand.u32 $0x180, v2;
	v5 =	vshrl.u32 v6, $0x3;
	v3 =	vadd.s32 v4, v3  }
0x4a: {  	[tilespmem:s14], [sflag:$0x1] =	stream.indirect_vreg.gather [hbm4b:s2+s10], $0x1, v0, vm0, $0x4038;
	v4 =	vand.u32 $0x3, v5;
	v5 =	vshrl.u32 v6, $0x5;
	v0 =	vor.u32 v2, v3;
	[tilespmem:$0x19000] =	vst v63  }
0x4b: {  	v2 =	vsel vm1, $0xFFFFFFFF, v4;
	v3 =	vand.u32 $0x3FFF, v5;
	v4 =	vmul.u32 $0xFC00, v8  }
0x4c: {  	s16 =	simm.s32 $0x30;
	s17 =	sadd.s32 $0x10, s15;
	s15 =	smov.u32 s14;
	vm2 =	veq.s32 v1, $0x80000000;
	v3 =	vsel vm1, $0xFFFFFFFF, v3;
	v5 =	vshrl.u32 v2, $0x2  }
.LBB2_3:
0x4d: {  	v7 =	vand.u32 $0x7F, v3  }
0x4e: {  	v6 =	vld.msk [tilespmem:s17+$0x0 ss:$0x1], $0xffff;
	v4 =	vsel vm1, $0xFFFF0400, v4;
	v5 =	vmul.u32 $0xFC00, v5;
	vm1 =	vmmov vm2;
	s16 =	sadd.s32 $0x10, s16  }
0x4f: {  	v8 =	vand.u32 $0x7, v1;
	v3 =	vshll.u32 v3, $0x2;
	s15 =	sadd.s32 $0x10, s15;
	v4 =	vor.u32 v4, v7;
	(ifvalue) =	ssetifvalue $0x7FFFFFFF;
	p0 =	slt.u32 s16, $0x63F0  }
0x50: {  	[tilespmem:s15], [sflag:$0x1] =	stream.indirect_vreg.gather [hbm4b:s2+s10], $0x1, v0, vm0, $0x4038;
	[tilespmem:$0x19000] =	vst v63  }
.Ltmp3:
0x51: {  	v2 =	vshll.u32 v2, $0x7;
	v3 =	vand.u32 $0xFFFFFE00, v3;
	v4 =	vadd.s32 v5, v4;
	(pc) =	sbr.rel @p0 .LBB2_3-.Ltmp3, $4  }
0x52: {  	v2 =	vand.u32 $0x180, v2;
	v0 =	vshrl.u32 v1, $0x3;
	v3 =	vadd.s32 v3, v4  }
0x53: {  	v9 =	vshrl.u32 v1, $0x5;
	v4 =	vand.u32 $0x3, v0;
	v0 =	vor.u32 v2, v3  }
0x54: {  	v7 =	vand.u32 $0x3FFF, v9;
	v2 =	vsel vm1, $0xFFFFFFFF, v4;
	v4 =	vmul.u32 $0xFC00, v8  }
0x55: {  	s17 =	sadd.s32 $0x10, s17;
	v3 =	vsel vm1, $0xFFFFFFFF, v7;
	vm2 =	veq.s32 v6, $0x80000000;
	v5 =	vshrl.u32 v2, $0x2;
	v1 =	vmovc v6  }
.Ltmp4:
0x56: {  	_ = 	snop;
	(pc) =	sbr.rel .LBB2_4-.Ltmp4, $1  }
0x57: {  	_ =	sdelay $0x3  }
.LBB2_6:
0x58: {  	_ =	sfence.sel $0x180000  }
0x59: {  	s2 =	simm.s32 $0x2;
	[bflag:$0x0] =	sbarrier.arrive $0xFFFF  }
0x5a: {  	s30 =	simm.s32 $0x3;
	[sflag:s2] =	ssyncpa.u1 $0x1  }
0x5b: {  	s31 =	simm.s32 $0x1;
	[sflag:s30] =	ssyncpa.u1 $0x1  }
0x5c: {  	[sflag:s31] =	ssyncpa.u1 $0x1  }
0x5d: {  	p0 =	sne.s32 s0, $0x0;
	_ =	strace $0x9000004D  }
0x5e: {  	s0 =	sadd.s32 @!p0 $0x100000, s1;
	[bflag:$0x2] =	sbarrier.arrive $0xFFFF  }
0x5f: {  	[sflag:s0] =	ssyncadd.tile.s32 @!p0 $0x1;
	_ =	shalt  }
.Lfunc_end2:
_tile_overlayer_lowered:
.L_overlay_start_2:
0x60: {  	(tag) =	ssettag $0x2  }
0x61: {  	s0 =	rddreg [dreg:$0x0];
	s2 =	stileid.u32  }
0x62: {  	s1 =	rddreg [dreg:$0x1];
	p0 =	sne.s32 s2, $0x0  }
0x63: {  	s3 =	rddreg [dreg:$0x2];
	[bflag:$0x3] =	sbarrier.arrive $0xFFFF;
	s2 =	simm.s32 @!p0 $0x1C01  }
0x64: {  	[timem:s3], [sflag:s2] =	dma.local @!p0 [hbm:s0], s1  }
0x65: {  	s0 =	simm.s32 @!p0 $0x1  }
0x66: {  	_ =	swait.ge @!p0 [sflag:s0], s1  }
0x67: {  	s1 =	ssub.s32 @!p0 $0x0, s1;
	[sflag:s0] =	ssyncset.done @!p0 $0x0  }
0x68: {  	[sflag:s0] =	ssyncadd.s32 @!p0 s1  }
0x69: {  	[bflag:$0x3] =	sbarrier.arrive $0xFFFF  }
0x6a: {  	_ =	shalt  }

// kernel: sparse-core-data-format-call.cloned.1.call-start
scs
called_computation_lowered:
.L_overlay_start_0:
0x0: {  	s1 =	sld [smem:$0x3FD9]  }
0x1: {  	s2 =	sld [smem:$0x3FFE];
	_ =	sdelay $0x1  }
0x2: {  	s3 =	srdreg.scid  }
0x3: {  	s0 =	sand.u32 $0x1, s3  }
0x4: {  	s17 =	sshll.u32 s0, $0xA;
	s1 =	sadd.s32 s2, s1  }
0x5: {  	s1 =	sadd.s32 s1, s17  }
0x6: {  	[smem:$0x3FC5] =	sst s1  }
0x7: {  	_ = 	snop  }
0x8: {  	(tm) =	ssettm $0x1  }
0x9: {  	s18 =	sld [smem:$0x3FFB];
	_ =	sdelay $0x3  }
0xa: {  	_ =	strace s18  }
0xb: {  	s1 =	sld [smem:$0x3FFC];
	_ =	sdelay $0x3  }
0xc: {  	_ =	strace s1  }
0xd: {  	s1 =	sld [smem:$0x3FFD];
	_ =	sdelay $0x3  }
0xe: {  	_ =	strace s1  }
0xf: {  	_ =	strace $0x8FFFFFFF  }
0x10: {  	s19 =	sld [smem:$0x3FDB];
	_ =	sdelay $0x1  }
0x11: {  	s20 =	simm.s32 $_scs_section_size  }
0x12: {  	s4 =	simm.s32 $_size__tile_overlayer_lowered;
	s5 =	simm.s32 $_tile_overlayer_lowered  }
0x13: {  	s23 =	simm.s32 $0x1BFF;
	s22 =	sshll.u32 s5, $0x1;
	s1 =	sadd.s32 s20, s19  }
0x14: {  	s6 =	simm.s32 $0x0;
	s21 =	sshll.u32 s4, $0x1;
	s4 =	sadd.s32 s22, s1  }
0x15: {  	[timem:s6], [sflag:s23] =	dma.local [hbm:s4], s21  }
0x16: {  	_ =	swait.ge [sflag:s23], s21  }
0x17: {  	s2 =	ssub.s32 $0x0, s21;
	[sflag:s23] =	ssyncset.done $0x0  }
0x18: {  	[sflag:s23] =	ssyncadd.s32 s2;
	_ =	sdelay $0x1  }
0x19: {  	s24 =	simm.s32 $0x1B8B  }
0x1a: {  	_ =	swait.ge [sflag:s24], $0x1  }
0x1b: {  	[sflag:s24] =	ssyncset.done $0x0  }
0x1c: {  	s26 =	simm.s32 $0x1B8E;
	s25 =	sld [smem:$0x3FFE];
	[sflag:s24] =	ssyncadd.s32 $0xFFFFFFFF  }
0x1d: {  	s27 =	simm.s32 $execute0_lowered;
	[smem:$0x3FD2] =	sst s26  }
0x1e: {  	s4 =	sshll.u32 s27, $0x1;
	_ =	strace $0x80000046;
	[dreg:$0x1] =	wrdreg $0xFFFFFFFF  }
0x1f: {  	s28 =	simm.s32 $_size_execute0_lowered;
	s1 =	sadd.s32 s1, s4;
	[dreg:$0x0] =	wrdreg $0x0  }
0x20: {  	s4 =	sshll.u32 s28, $0x1;
	[dreg:$0x2] =	wrdreg s1  }
0x21: {  	[dreg:$0x3] =	wrdreg s4  }
0x22: {  	[dreg:$0x4] =	wrdreg $0xC0  }
0x23: {  	_ =	task [dreg:s6], $0x5FFFF  }
0x24: {  	[dreg:$0x1] =	wrdreg $0xFFFFFFFF  }
0x25: {  	[dreg:$0x0] =	wrdreg $0x60  }
0x26: {  	[dreg:$0x2] =	wrdreg s25  }
0x27: {  	[dreg:$0x3] =	wrdreg $0x9  }
0x28: {  	_ =	task.clear_ibuf [dreg:s6], $0x4FFFF;
	_ =	strace $0x90000046  }
0x29: {  	s29 =	simm.s32 $0x9;
	_ =	strace $0x80000048  }
0x2a: {  	_ =	swait.ge [sflag:s29], $0x1  }
0x2b: {  	[sflag:s29] =	ssyncadd.s32 $0xFFFFFFFF  }
0x2c: {  	_ =	strace $0x90000048  }
0x2d: {  	_ =	sfence  }
0x2e: {  	s30 =	sld [smem:$0x0];
	_ =	sdelay $0x2  }
0x2f: {  	s31 =	sshll.u32 s3, $0xD;
	s3 =	sshrl.u32 s3, $0x2  }
0x30: {  	s2 =	sand.u32 $0x4000, s31;
	s1 =	sadd.s32 s3, s30  }
0x31: {  	s0 =	sor.u32 s2, s0;
	s1 =	sshll.u32 s1, $0x11  }
0x32: {  	s0 =	sor.u32 s1, s0  }
0x33: {  	s0 =	sadd.s32 $0x8F2B, s0  }
0x34: {  	[sflag:s0] =	ssyncadd.remote.s32 $0x1  }
0x35: {  	_ =	sfence.sel $0xFFFF  }
0x36: {  	[dreg:$0x0] =	wrdreg $0xFFFFFFFF;
	(pc) =	sbr.abs _section_cstart, $3  }
0x37: {  	[dreg:$0x1] =	wrdreg $0xFFFFFFFF  }
0x38: {  	_ =	task.clear_ibuf [dreg:s6], $0x2FFFF;
	_ =	strace $0x9FFFFFFF  }
0x39: {  	(tm) =	ssettm $0x7FFFFFFF  }
tec
execute0_lowered:
.L_overlay_start_1:
0x0: {  	(tag) =	ssettag $0x1  }
0x1: {  	s0 =	srdreg.scid  }
0x2: {  	s1 =	sshll.u32 s0, $0x4  }
0x3: {  	s0 =	stileid.u32;
	s1 =	sand.u32 $0x10, s1  }
0x4: {  	s1 =	sor.u32 s0, s1  }
0x5: {  	s6 =	rddreg [dreg:$0x0];
	s7 =	simm.s32 $0x2;
	s2 =	sshll.u32 s1, $0x1  }
0x6: {  	s12 =	simm.s32 $0x0;
	s8 =	simm.s32 $0x28000;
	s1 =	ssub.s32 $0x280, s2  }
0x7: {  	s13 =	simm.s32 $0x0;
	s9 =	simm.s32 $0x0;
	s3 =	sand.u32 $0x3E, s1  }
0x8: {  	s11 =	simm.s32 $0x0;
	p0 =	sne.s32 s3, $0x0;
	s3 =	simm.s32 $0x1  }
.Ltmp0:
0x9: {  	s4 =	sshrl.u32 s1, $0x6;
	s3 =	simm.s32 @!p0 $0x0;
	(pc) =	sbr.rel .LBB1_1-.Ltmp0, $4  }
0xa: {  	s5 =	sadd.s32 $0x295800, s6;
	s1 =	rddreg [dreg:$0x1];
	s4 =	sadd.s32 s3, s4  }
0xb: {  	_ =	strace $0x80000047;
	s3 =	simm.s32 $0x1;
	s4 =	smul.u32 $0x19, s4  }
0xc: {  	s6 =	sadd.s32 $0x489800, s6;
	s10 =	smov.u32 s2;
	[sflag:s3] =	ssyncpa.u1 $0x0  }
0xd: {  	p0 =	por $0x0, $0x0;
	[sflag:s7] =	ssyncpa.u1 $0x0;
	s7 =	sadd.s32 $0x1, s4  }
.LBB1_4:
0xe: {  	s17 =	sshll.u32 s13, $0x9;
	s18 =	sshll.u32 s12, $0x3  }
0xf: {  	s27 =	sshll.u32 s13, $0x7;
	s17 =	sand.u32 $0xFFFFF000, s17;
	s18 =	sand.u32 $0xFFFFFC00, s18  }
0x10: {  	[tilespmem:s14+$0x330 ss:$0x11] =	vst.msk $0xffff, v13;
	v7 =	vpack.i.b32.b16 v9, v7;
	s28 =	sand.u32 $0x200, s27;
	s17 =	sadd.s32 s17, s18  }
0x11: {  	v50 =	vpack.i.b32.b16 v12, v10;
	[tilespmem:s14+$0x331 ss:$0x11] =	vst.msk $0xffff, v7;
	s17 =	sor.u32 s28, s17  }
0x12: {  	v51 =	vunpack.i.l.s16.s32 v4;
	v52 =	vunpack.i.l.s16.s32 v5;
	v53 =	vpack.i.b32.b16 v11, v8;
	[tilespmem:s14+$0x440 ss:$0x11] =	vst.msk $0xffff, v50;
	s17 =	sshrl.u32 s17, $0x9  }
0x13: {  	v57 =	vunpack.i.l.s16.s32 v6;
	v56 =	vpack.i.b32.b16 v52, v51;
	[tilespmem:s14+$0x441 ss:$0x11] =	vst.msk $0xffff, v53;
	s29 =	smulhi.u32 $0x666667, s17  }
0x14: {  	v54 =	vunpack.i.u.s16.s32 v4;
	v55 =	vunpack.i.u.s16.s32 v5;
	s19 =	sshll.u32 s12, $0x1;
	v1 =	vpack.i.b32.b16 v1, v57;
	[tilespmem:s14+$0x550 ss:$0x11] =	vst.msk $0xffff, v56  }
0x15: {  	v58 =	vunpack.i.u.s16.s32 v6;
	v4 =	vpack.i.b32.b16 v55, v54;
	s19 =	sand.u32 $0xF0, s19;
	s13 =	sand.u32 $0x100, s27;
	[tilespmem:s14+$0x0 ss:$0x11] =	vst.msk $0xffff, v1;
	s18 =	smul.u32 $0x280, s29  }
0x16: {  	v59 =	vunpack.i.l.s16.s32 v2;
	v60 =	vunpack.i.l.s16.s32 v3;
	v0 =	vpack.i.b32.b16 v0, v58;
	s13 =	sor.u32 s13, s19;
	[tilespmem:s14+$0x551 ss:$0x11] =	vst.msk $0xffff, v4  }
0x17: {  	v61 =	vunpack.i.u.s16.s32 v2;
	v62 =	vunpack.i.u.s16.s32 v3;
	s31 =	sand.u32 $0x7, s12;
	v1 =	vpack.i.b32.b16 v60, v59;
	[tilespmem:s16+$0x1 ss:$0x11] =	vst.msk $0xffff, v0;
	s13 =	sshrl.u32 s13, $0x4;
	s30 =	ssub.s32 s17, s18  }
0x18: {  	v63 =	vpack.i.b32.b16 v62, v61;
	s12 =	sshll.u32 s31, $0x12;
	[tilespmem:s16+$0x660 ss:$0x11] =	vst.msk $0xffff, v1;
	s13 =	sadd.s32 s6, s13;
	s14 =	sshll.u32 s30, $0x5  }
0x19: {  	s12 =	sor.u32 $0x10, s12;
	[tilespmem:s16+$0x661 ss:$0x11] =	vst.msk $0xffff, v63;
	s13 =	sadd.s32 s14, s13  }
0x1a: {  	[hbm4b:s13+s12] =	stream.strided.scatter [tilespmem:s15], [sflag:$0x2], $0x800, s8, s12, $0x8;
	[tilespmem:$0x2100] =	vst v63  }
.LBB1_5:
0x1b: {  	s14 =	sadd.s32 $0x10, s9  }
0x1c: {  	s12 =	sadd.s32 $0x40, s10;
	s16 =	smov.u32 s10;
	p2 =	sgt.s32 s14, $0x18F  }
0x1d: {  	s16 =	smov.u32 @p2 s12  }
0x1e: {  	s14 =	simm.s32 @p2 $0x0;
	p2 =	sgt.s32 s16, $0x27F  }
0x1f: {  	s16 =	smov.u32 @p2 s2;
	p2 =	sne.s32 s11, s7  }
.Ltmp1:
0x20: {  	p1 =	slt.u32 s11, $0x2;
	(pc) =	sbr.rel @!p2 .LBB1_6-.Ltmp1, $4  }
0x21: {  	s15 =	simm.s32 @!p1 $0x2  }
0x22: {  	s13 =	smov.u32 s10;
	p0 =	por !p0, !p0;
	_ =	swait.ge @!p1 [sflag:s15], $0x800  }
0x23: {  	s12 =	smov.u32 s9;
	[sflag:s15] =	ssyncset.done @!p1 $0x0;
	s9 =	smov.u32 s14  }
0x24: {  	s11 =	sadd.s32 $0x1, s11;
	[sflag:s15] =	ssyncadd.s32 @!p1 $0xFFFFF800;
	s10 =	smov.u32 s16  }
.LBB1_1:
0x25: {  	p1 =	sge.u32 s11, s4  }
0x26: {  	s14 =	sand.u32 @!p1 $0x1FFFFFE, s9  }
0x27: {  	s15 =	smulhi.u32 @!p1 $0x147AE15, s14;
	_ =	sdelay $0x1  }
0x28: {  	s15 =	sshrl.u32 @!p1 s15, $0x1  }
0x29: {  	s15 =	smul.u32 @!p1 $0x190, s15  }
0x2a: {  	s31 =	sadd.s32 $0xFFFFFFFF, s11;
	s16 =	smul.u32 @!p1 $0xC80, s10  }
0x2b: {  	s17 =	simm.s32 @!p1 $0x6400;
	s14 =	ssub.s32 @!p1 s14, s15;
	s15 =	sxor.u32 @!p1 $0xFFFFFFFF, s11  }
0x2c: {  	s16 =	sadd.s32 @!p1 s5, s16;
	s14 =	sshll.u32 @!p1 s14, $0x3;
	s15 =	sshll.u32 @!p1 s15, $0xB  }
0x2d: {  	s14 =	sadd.s32 @!p1 s14, s16;
	s15 =	sand.u32 @!p1 $0x800, s15;
	s16 =	simm.s32 @!p1 $0x400  }
0x2e: {  	[tilespmem:s15], [sflag:$0x1] =	stream.strided.gather @!p1 [hbm4b:s14+s16], $0x800, s17, s16, $0x38;
	[tilespmem:$0x2100] =	vst v63  }
0x2f: {  	p1 =	sge.u32 s31, s4  }
.Ltmp2:
0x30: {  	_ = 	snop;
	(pc) =	sbr.rel @p1 .LBB1_5-.Ltmp2, $1  }
0x31: {  	_ =	sdelay $0x3  }
0x32: {  	s14 =	simm.s32 $0x1  }
0x33: {  	_ =	swait.ge [sflag:s3], $0x800;
	s14 =	simm.s32 @!p0 $0x0  }
0x34: {  	[sflag:s3] =	ssyncset.done $0x0;
	s15 =	sshll.u32 s14, $0xB  }
0x35: {  	[sflag:s3] =	ssyncadd.s32 $0xFFFFF800;
	s16 =	sor.u32 $0x400, s15  }
0x36: {  	v0 =	vld [tilespmem:s16+$0xFFFFFC70]  }
0x37: {  	v1 =	vld [tilespmem:s16+$0x70]  }
0x38: {  	v2 =	vld [tilespmem:s16+$0x0]  }
0x39: {  	v3 =	vld [tilespmem:s16+$0xFFFFFC10]  }
0x3a: {  	v5 =	vld [tilespmem:s16+$0xFFFFFC20]  }
0x3b: {  	v4 =	vld [tilespmem:s16+$0x10]  }
0x3c: {  	v6 =	vld [tilespmem:s16+$0x20]  }
0x3d: {  	s14 =	smul.u32 $0x2200, s14;
	v9 =	vld [tilespmem:s16+$0xFFFFFC30];
	v7 =	vunpack.i.l.s16.s32 v0;
	v8 =	vunpack.i.l.s16.s32 v1  }
0x3e: {  	v10 =	vunpack.i.u.s16.s32 v0;
	v11 =	vunpack.i.u.s16.s32 v1;
	v0 =	vunpack.i.u.s16.s32 v2  }
0x3f: {  	s14 =	sshrl.u32 s14, $0x2;
	v1 =	vunpack.i.l.s16.s32 v2;
	v2 =	vld [tilespmem:s16+$0x30];
	v13 =	vunpack.i.u.s16.s32 v5;
	v14 =	vunpack.i.l.s16.s32 v5  }
0x40: {  	v12 =	vld [tilespmem:s16+$0xFFFFFC40];
	s14 =	sor.u32 $0x1000, s14;
	v7 =	vpack.i.b32.b16 v8, v7;
	v8 =	vpack.i.b32.b16 v11, v10;
	v10 =	vunpack.i.u.s16.s32 v3  }
0x41: {  	v15 =	vld [tilespmem:s16+$0x40];
	v3 =	vunpack.i.l.s16.s32 v3;
	v11 =	vunpack.i.u.s16.s32 v4;
	v4 =	vunpack.i.l.s16.s32 v4;
	[tilespmem:s14+$0x770 ss:$0x11] =	vst.msk $0xffff, v7  }
0x42: {  	s31 =	sand.u32 $0x1, s11;
	v3 =	vpack.i.b32.b16 v4, v3;
	v4 =	vld [tilespmem:s16+$0xFFFFFC50];
	v7 =	vunpack.i.u.s16.s32 v9;
	[tilespmem:s14+$0x771 ss:$0x11] =	vst.msk $0xffff, v8;
	v8 =	vunpack.i.u.s16.s32 v6  }
0x43: {  	s15 =	smul.u32 $0x2200, s31;
	v5 =	vld [tilespmem:s16+$0x50];
	v6 =	vunpack.i.l.s16.s32 v6;
	[tilespmem:s14+$0x110 ss:$0x11] =	vst.msk $0xffff, v3;
	v3 =	vpack.i.b32.b16 v11, v10;
	v11 =	vunpack.i.l.s16.s32 v9  }
0x44: {  	[tilespmem:s14+$0x111 ss:$0x11] =	vst.msk $0xffff, v3;
	v3 =	vpack.i.b32.b16 v6, v14;
	v9 =	vunpack.i.u.s16.s32 v2;
	v14 =	vunpack.i.l.s16.s32 v2;
	v2 =	vld [tilespmem:s16+$0xFFFFFC60]  }
0x45: {  	s17 =	simm.s32 $0x0;
	s15 =	sshrl.u32 s15, $0x2;
	v10 =	vunpack.i.l.s16.s32 v12;
	v13 =	vpack.i.b32.b16 v8, v13;
	v8 =	vunpack.i.u.s16.s32 v12;
	[tilespmem:s14+$0x220 ss:$0x11] =	vst.msk $0xffff, v3;
	v3 =	vld [tilespmem:s16+$0x60]  }
0x46: {  	s18 =	sadd.s32 $0x80, s16;
	s15 =	sor.u32 $0x1000, s15;
	v6 =	vld [tilespmem:s16+$0xFFFFFC00];
	v12 =	vunpack.i.l.s16.s32 v15;
	s16 =	smov.u32 s14;
	[tilespmem:s14+$0x221 ss:$0x11] =	vst.msk $0xffff, v13;
	v13 =	vpack.i.b32.b16 v14, v11;
	v11 =	vunpack.i.u.s16.s32 v15  }
.LBB1_3:
0x47: {  	v14 =	vld [tilespmem:s18+$0xFFFFFC70];
	[tilespmem:s14+$0x330 ss:$0x11] =	vst.msk $0xffff, v13;
	v7 =	vpack.i.b32.b16 v9, v7;
	v9 =	vunpack.i.u.s16.s32 v4;
	v4 =	vunpack.i.l.s16.s32 v4  }
0x48: {  	v13 =	vld [tilespmem:s18+$0x70];
	[tilespmem:s14+$0x331 ss:$0x11] =	vst.msk $0xffff, v7;
	v7 =	vpack.i.b32.b16 v12, v10;
	v10 =	vunpack.i.u.s16.s32 v5;
	v5 =	vunpack.i.l.s16.s32 v5  }
0x49: {  	s17 =	sadd.s32 $0x2, s17;
	v12 =	vld [tilespmem:s18+$0x0];
	[tilespmem:s14+$0x440 ss:$0x11] =	vst.msk $0xffff, v7;
	v7 =	vpack.i.b32.b16 v11, v8;
	v8 =	vunpack.i.u.s16.s32 v2;
	v2 =	vunpack.i.l.s16.s32 v2  }
0x4a: {  	p1 =	slt.u32 s17, $0xE;
	v4 =	vpack.i.b32.b16 v5, v4;
	v5 =	vunpack.i.u.s16.s32 v3;
	v3 =	vunpack.i.l.s16.s32 v3;
	v11 =	vld [tilespmem:s18+$0xFFFFFC10];
	[tilespmem:s14+$0x441 ss:$0x11] =	vst.msk $0xffff, v7  }
0x4b: {  	v15 =	vunpack.i.u.s16.s32 v6;
	v6 =	vunpack.i.l.s16.s32 v6;
	v7 =	vld [tilespmem:s18+$0x10];
	[tilespmem:s14+$0x550 ss:$0x11] =	vst.msk $0xffff, v4;
	v4 =	vpack.i.b32.b16 v10, v9  }
0x4c: {  	v1 =	vpack.i.b32.b16 v1, v6;
	v0 =	vpack.i.b32.b16 v0, v15;
	v2 =	vpack.i.b32.b16 v3, v2;
	v9 =	vld [tilespmem:s18+$0xFFFFFC20];
	[tilespmem:s14+$0x551 ss:$0x11] =	vst.msk $0xffff, v4  }
0x4d: {  	v5 =	vpack.i.b32.b16 v5, v8;
	v4 =	vunpack.i.l.s16.s32 v14;
	v3 =	vld [tilespmem:s18+$0x20];
	v6 =	vunpack.i.l.s16.s32 v13;
	[tilespmem:s14+$0x0 ss:$0x11] =	vst.msk $0xffff, v1  }
0x4e: {  	v10 =	vunpack.i.u.s16.s32 v14;
	v13 =	vunpack.i.u.s16.s32 v13;
	s14 =	sadd.s32 $0x2, s14;
	v8 =	vld [tilespmem:s18+$0xFFFFFC30];
	v4 =	vpack.i.b32.b16 v6, v4;
	[tilespmem:s16+$0x1 ss:$0x11] =	vst.msk $0xffff, v0  }
0x4f: {  	v0 =	vunpack.i.u.s16.s32 v12;
	v1 =	vunpack.i.l.s16.s32 v12;
	v6 =	vld [tilespmem:s18+$0x30];
	[tilespmem:s14+$0x770 ss:$0x11] =	vst.msk $0xffff, v4;
	v4 =	vpack.i.b32.b16 v13, v10  }
0x50: {  	v10 =	vunpack.i.u.s16.s32 v11;
	v11 =	vunpack.i.l.s16.s32 v11;
	v12 =	vunpack.i.u.s16.s32 v7;
	v13 =	vld [tilespmem:s18+$0xFFFFFC40];
	[tilespmem:s14+$0x771 ss:$0x11] =	vst.msk $0xffff, v4  }
0x51: {  	v4 =	vunpack.i.l.s16.s32 v7;
	v14 =	vunpack.i.u.s16.s32 v9;
	v9 =	vunpack.i.l.s16.s32 v9;
	v15 =	vld [tilespmem:s18+$0x40];
	[tilespmem:s16+$0x660 ss:$0x11] =	vst.msk $0xffff, v2  }
.Ltmp3:
0x52: {  	v2 =	vpack.i.b32.b16 v4, v11;
	v11 =	vunpack.i.u.s16.s32 v3;
	v3 =	vunpack.i.l.s16.s32 v3;
	v4 =	vld [tilespmem:s18+$0xFFFFFC50];
	[tilespmem:s16+$0x661 ss:$0x11] =	vst.msk $0xffff, v5;
	s16 =	smov.u32 s14;
	(pc) =	sbr.rel @p1 .LBB1_3-.Ltmp3, $4  }
0x53: {  	[tilespmem:s14+$0x110 ss:$0x11] =	vst.msk $0xffff, v2;
	v2 =	vpack.i.b32.b16 v12, v10;
	v7 =	vunpack.i.u.s16.s32 v8;
	v12 =	vunpack.i.l.s16.s32 v8;
	v5 =	vld [tilespmem:s18+$0x50]  }
0x54: {  	v3 =	vpack.i.b32.b16 v3, v9;
	[tilespmem:s14+$0x111 ss:$0x11] =	vst.msk $0xffff, v2;
	v9 =	vunpack.i.u.s16.s32 v6;
	v16 =	vunpack.i.l.s16.s32 v6;
	v2 =	vld [tilespmem:s18+$0xFFFFFC60]  }
0x55: {  	v11 =	vpack.i.b32.b16 v11, v14;
	[tilespmem:s14+$0x220 ss:$0x11] =	vst.msk $0xffff, v3;
	v8 =	vunpack.i.u.s16.s32 v13;
	v10 =	vunpack.i.l.s16.s32 v13;
	v3 =	vld [tilespmem:s18+$0x60]  }
0x56: {  	v13 =	vpack.i.b32.b16 v16, v12;
	v6 =	vld [tilespmem:s18+$0xFFFFFC00];
	[tilespmem:s14+$0x221 ss:$0x11] =	vst.msk $0xffff, v11;
	v11 =	vunpack.i.u.s16.s32 v15;
	v12 =	vunpack.i.l.s16.s32 v15;
	s18 =	sadd.s32 $0x80, s18  }
.Ltmp4:
0x57: {  	_ = 	snop;
	(pc) =	sbr.rel .LBB1_4-.Ltmp4, $1  }
0x58: {  	_ =	sdelay $0x3  }
.LBB1_6:
0x59: {  	_ =	sfence.sel $0x180000  }
0x5a: {  	s2 =	simm.s32 $0x1;
	[bflag:$0x0] =	sbarrier.arrive $0xFFFF  }
0x5b: {  	s31 =	simm.s32 $0x2;
	[sflag:s2] =	ssyncpa.u1 $0x1  }
0x5c: {  	[sflag:s31] =	ssyncpa.u1 $0x1  }
0x5d: {  	p0 =	sne.s32 s0, $0x0;
	_ =	strace $0x90000047  }
0x5e: {  	s0 =	sadd.s32 @!p0 $0x100000, s1;
	[bflag:$0x2] =	sbarrier.arrive $0xFFFF  }
0x5f: {  	[sflag:s0] =	ssyncadd.tile.s32 @!p0 $0x1;
	_ =	shalt  }
.Lfunc_end1:
_tile_overlayer_lowered:
.L_overlay_start_2:
0x60: {  	(tag) =	ssettag $0x2  }
0x61: {  	s0 =	rddreg [dreg:$0x0];
	s2 =	stileid.u32  }
0x62: {  	s1 =	rddreg [dreg:$0x1];
	p0 =	sne.s32 s2, $0x0  }
0x63: {  	s3 =	rddreg [dreg:$0x2];
	[bflag:$0x3] =	sbarrier.arrive $0xFFFF;
	s2 =	simm.s32 @!p0 $0x1C01  }
0x64: {  	[timem:s3], [sflag:s2] =	dma.local @!p0 [hbm:s0], s1  }
0x65: {  	s0 =	simm.s32 @!p0 $0x1  }
0x66: {  	_ =	swait.ge @!p0 [sflag:s0], s1  }
0x67: {  	s1 =	ssub.s32 @!p0 $0x0, s1;
	[sflag:s0] =	ssyncset.done @!p0 $0x0  }
0x68: {  	[sflag:s0] =	ssyncadd.s32 @!p0 s1  }
0x69: {  	[bflag:$0x3] =	sbarrier.arrive $0xFFFF  }
0x6a: {  	_ =	shalt  }

</sc_bundles>
